<compile_context>
chip_gen: v7x
topology: tpu7x:2x2x1
jax: 0.10.2.dev20260603
libtpu: 0.0.44.dev20260713+nightly
codegen_flags: <defaults>
</compile_context>

<pallas_src>
import functools

import jax
import jax.numpy as jnp
from jax import lax
from jax.experimental import pallas as pl
from jax.experimental.pallas import tpu as pltpu
from jax.experimental.pallas import tpu_sc as plsc

B = 128
D = 128
_NW = 16
_BPW = B // _NW
_NCH = D // 16

_LN2 = 0.6931471805599453
_LN_POLY = (-0.017208061122, 0.18497517511, -0.85553763233, 2.2311505361,
            -3.6488345596, 4.2045329673, -2.0990749178)

_mesh = plsc.VectorSubcoreMesh(core_axis_name="c", subcore_axis_name="s",
                               num_cores=1)


@functools.partial(
    pl.kernel,
    mesh=_mesh,
    out_type=(
        jax.ShapeDtypeStruct((B, D), jnp.float32),
        jax.ShapeDtypeStruct((_NW, 16), jnp.float32),
    ),
    scratch_types=[
        pltpu.VMEM((_BPW,), jnp.int32),
        pltpu.VMEM((_BPW, D), jnp.float32),
        pltpu.VMEM((16,), jnp.float32),
        pltpu.SemaphoreType.DMA,
        pltpu.SemaphoreType.DMA,
    ],
)
def _sc_embed_lse(idx_hbm, table_hbm, logits_hbm, parts_hbm,
                  idx_v, rows_v, part_v, sem_g, sem_o):
    w = lax.axis_index("s")

    pltpu.sync_copy(idx_hbm.at[w // 2, pl.ds((w % 2) * _BPW, _BPW)], idx_v)
    pltpu.async_copy(table_hbm.at[idx_v], rows_v, sem_g).wait()
    out_dma = pltpu.async_copy(rows_v, logits_hbm.at[pl.ds(w * _BPW, _BPW)],
                               sem_o)

    lanes = lax.broadcasted_iota(jnp.int32, (16,), 0)
    _dnums = lax.GatherDimensionNumbers(
        offset_dims=(), collapsed_slice_dims=(0,), start_index_map=(0,))

    def _shuf(v, sh):
        return lax.gather(v, (lanes ^ sh)[:, None], _dnums, (1,),
                          mode=lax.GatherScatterMode.PROMISE_IN_BOUNDS)

    svs = []
    for r in range(_BPW):
        sv = jnp.exp(rows_v[r, pl.ds(0, 16)])
        for j in range(1, _NCH):
            sv = sv + jnp.exp(rows_v[r, pl.ds(16 * j, 16)])
        svs.append(sv)

    for sh in (1, 2, 4):
        bit = (lanes & sh) != 0
        svs = [jnp.where(bit, svs[2 * i + 1] + _shuf(svs[2 * i + 1], sh),
                         svs[2 * i] + _shuf(svs[2 * i], sh))
               for i in range(len(svs) // 2)]
    s_acc = svs[0] + _shuf(svs[0], 8)

    bits = lax.bitcast_convert_type(s_acc, jnp.int32)
    ex = lax.shift_right_logical(bits, 23) - 127
    mant = lax.bitcast_convert_type((bits & 0x007FFFFF) | 0x3F800000,
                                    jnp.float32)
    p = jnp.full((16,), _LN_POLY[0], jnp.float32)
    for c in _LN_POLY[1:]:
        p = p * mant + c
    lse = ex.astype(jnp.float32) * _LN2 + p
    part_v[...] = jnp.where(lanes < _BPW, lse, 0.0)
    pltpu.sync_copy(part_v, parts_hbm.at[w])

    out_dma.wait()


def _fin_body(parts_ref, logits_ref, tgt_ref, out_ref):
    lse_sum = jnp.sum(parts_ref[...])
    x = logits_ref[...]
    cols = lax.broadcasted_iota(jnp.int32, (B, D), 1)
    picked = jnp.sum(jnp.where(cols == tgt_ref[...], x, 0.0))
    out_ref[0, 0] = (lse_sum - picked) * (1.0 / B)


_fin_call = pl.pallas_call(
    _fin_body,
    out_shape=jax.ShapeDtypeStruct((1, 1), jnp.float32),
    out_specs=pl.BlockSpec(memory_space=pltpu.SMEM),
)


def kernel(idx, targets, embedding_table):
    logits, parts = _sc_embed_lse(idx, embedding_table)
    loss = _fin_call(parts, logits, targets.reshape(B, 1))[0, 0]
    return (logits, loss)

# --- scband reference (transcript-rebuilt; emitter-appended) ---
"""Pipeline reference for scband-bigram-language-model-17978733101778 (READ-ONLY COPY).

The authoritative reference and input builder live on the scoring server;
editing this copy changes nothing except your own understanding.
"""

import jax, jax.numpy as jnp
import numpy as np

BATCHSIZE = 8
CONTEXT = 16
VOCAB_SIZE = 1000000
EMBEDDING_DIMS = 128


def setup_inputs(seed: int = 0) -> dict:
    key = jax.random.key(seed)
    k1, k2, k3 = jax.random.split(key, 3)
    idx = jax.random.randint(k1, (BATCHSIZE, CONTEXT), 0, VOCAB_SIZE, dtype=jnp.int64 if jax.config.jax_enable_x64 else jnp.int32).astype(jnp.int32)
    targets = jax.random.randint(k2, (BATCHSIZE, CONTEXT), 0, EMBEDDING_DIMS, dtype=jnp.int32)
    embedding_table = jax.random.normal(k3, (VOCAB_SIZE, EMBEDDING_DIMS), dtype=jnp.float32)
    return {"idx": idx, "targets": targets, "embedding_table": embedding_table}


def reference(idx, targets, embedding_table):
    # logits = self.embedding_table(idx)  -> gather rows
    logits = jnp.take(embedding_table, idx, axis=0)  # [B, T, D]
    # targets is not None branch
    logits = logits.reshape(BATCHSIZE * CONTEXT, -1)  # [128, D]
    t = targets.reshape(BATCHSIZE * CONTEXT)  # [128]
    # F.cross_entropy: mean over batch of -log_softmax(logits)[target]
    logp = jax.nn.log_softmax(logits, axis=-1)
    loss = -jnp.mean(jnp.take_along_axis(logp, t[:, None], axis=1))
    return (logits, loss)

if __name__ == "__main__":
    import jax
    _d = setup_inputs()
    print(jax.jit(kernel)(*tuple(_d.values())))

</pallas_src>

<mosaic_0001>
#map = affine_map<(d0, d1) -> (0, 0)>
module attributes {stable_mosaic.version = 14 : i64} {
  func.func @_sc_embed_lse(%arg0: i32, %arg1: i32, %arg2: memref<8x16xi32, #tpu.memory_space<hbm>>, %arg3: memref<1000000x128xf32, #tpu.memory_space<hbm>>, %arg4: memref<128x128xf32, #tpu.memory_space<hbm>>, %arg5: memref<16x16xf32, #tpu.memory_space<hbm>>, %arg6: memref<8xi32, #tpu.memory_space<vmem>>, %arg7: memref<8x128xf32, #tpu.memory_space<vmem>>, %arg8: memref<16xf32, #tpu.memory_space<vmem>>, %arg9: memref<!tpu.dma_semaphore, #tpu.memory_space<semaphore_mem>>, %arg10: memref<!tpu.dma_semaphore, #tpu.memory_space<semaphore_mem>>) attributes {dimension_semantics = [#tpu.dimension_semantics<core_parallel>, #tpu.dimension_semantics<subcore_parallel>], iteration_bounds = array<i64: 1, 16>, scalar_prefetch = 0 : i64, scratch_operands = 5 : i64, tpu.core_type = #tpu.core_type<sc_vector_subcore>, window_params = [{transform_indices = #map}, {transform_indices = #map}, {transform_indices = #map}, {transform_indices = #map}]} {
    %jit3A = arith.constant 2 : i32
    %div3A = arith.divsi %arg1, %jit3A : i32
    %sign3A = arith.constant 0 : i32
    %sign3A_0 = arith.cmpi sgt, %arg1, %sign3A : i32
    %sign3A_1 = arith.extui %sign3A_0 : i1 to i32
    %sign3A_2 = arith.constant 0 : i32
    %sign3A_3 = arith.cmpi slt, %arg1, %sign3A_2 : i32
    %sign3A_4 = arith.extui %sign3A_3 : i1 to i32
    %sign3A_5 = arith.subi %sign3A_1, %sign3A_4 : i32
    %sign3A_6 = arith.constant 0 : i32
    %sign3A_7 = arith.cmpi sgt, %jit3A, %sign3A_6 : i32
    %sign3A_8 = arith.extui %sign3A_7 : i1 to i32
    %sign3A_9 = arith.constant 0 : i32
    %sign3A_10 = arith.cmpi slt, %jit3A, %sign3A_9 : i32
    %sign3A_11 = arith.extui %sign3A_10 : i1 to i32
    %sign3A_12 = arith.subi %sign3A_8, %sign3A_11 : i32
    %ne3A = arith.cmpi ne, %sign3A_5, %sign3A_12 : i32
    %rem3A = arith.remsi %arg1, %jit3A : i32
    %ne3A_13 = arith.constant 0 : i32
    %ne3A_14 = arith.cmpi ne, %rem3A, %ne3A_13 : i32
    %and3A = arith.andi %ne3A, %ne3A_14 : i1
    %sub3A = arith.constant 1 : i32
    %sub3A_15 = arith.subi %div3A, %sub3A : i32
    %select_n3A = arith.select %and3A, %sub3A_15, %div3A : i32
    %jit3A_16 = arith.constant 2 : i32
    %eq3A = arith.constant 0 : i32
    %eq3A_17 = arith.cmpi eq, %jit3A_16, %eq3A : i32
    %jit3A_18 = arith.constant 1 : i32
    %select_n3A_19 = arith.select %eq3A_17, %jit3A_18, %jit3A_16 : i32
    %rem3A_20 = arith.remsi %arg1, %select_n3A_19 : i32
    %ne3A_21 = arith.constant 0 : i32
    %ne3A_22 = arith.cmpi ne, %rem3A_20, %ne3A_21 : i32
    %lt3A = arith.constant 0 : i32
    %lt3A_23 = arith.cmpi slt, %rem3A_20, %lt3A : i32
    %lt3A_24 = arith.constant 0 : i32
    %lt3A_25 = arith.cmpi slt, %select_n3A_19, %lt3A_24 : i32
    %ne3A_26 = arith.xori %lt3A_23, %lt3A_25 : i1
    %and3A_27 = arith.andi %ne3A_26, %ne3A_22 : i1
    %add3A = arith.addi %rem3A_20, %select_n3A_19 : i32
    %select_n3A_28 = arith.select %and3A_27, %add3A, %rem3A_20 : i32
    %mul3A = arith.constant 8 : i32
    %mul3A_29 = arith.muli %select_n3A_28, %mul3A : i32
    "tpu.region"() ({
      %run_scoped3A = tpu.sem_alloc : memref<!tpu.dma_semaphore, #tpu.memory_space<semaphore_mem>>
      %dma_start3A_659 = tpu.memref_slice %arg2[%select_n3A, %mul3A_29] : memref<8x16xi32, #tpu.memory_space<hbm>> -> memref<1x8xi32, #tpu.memory_space<hbm>>
      %dma_start3A_660 = tpu.memref_squeeze %dma_start3A_659 : memref<1x8xi32, #tpu.memory_space<hbm>> -> memref<8xi32, #tpu.memory_space<hbm>>
      %dma_start3A_661 = tpu.memref_slice %arg2[%select_n3A, %mul3A_29] : memref<8x16xi32, #tpu.memory_space<hbm>> -> memref<1x8xi32, #tpu.memory_space<hbm>>
      %dma_start3A_662 = tpu.memref_squeeze %dma_start3A_661 : memref<1x8xi32, #tpu.memory_space<hbm>> -> memref<8xi32, #tpu.memory_space<hbm>>
      tpu.enqueue_dma source(%dma_start3A_662 : memref<8xi32, #tpu.memory_space<hbm>>) target(%arg6 : memref<8xi32, #tpu.memory_space<vmem>>) target_semaphore(%run_scoped3A : memref<!tpu.dma_semaphore, #tpu.memory_space<semaphore_mem>>)
      %dma_wait3A_663 = tpu.memref_slice %arg2[%select_n3A, %mul3A_29] : memref<8x16xi32, #tpu.memory_space<hbm>> -> memref<1x8xi32, #tpu.memory_space<hbm>>
      %dma_wait3A_664 = tpu.memref_squeeze %dma_wait3A_663 : memref<1x8xi32, #tpu.memory_space<hbm>> -> memref<8xi32, #tpu.memory_space<hbm>>
      %dma_wait3A_665 = tpu.memref_slice %arg2[%select_n3A, %mul3A_29] : memref<8x16xi32, #tpu.memory_space<hbm>> -> memref<1x8xi32, #tpu.memory_space<hbm>>
      %dma_wait3A_666 = tpu.memref_squeeze %dma_wait3A_665 : memref<1x8xi32, #tpu.memory_space<hbm>> -> memref<8xi32, #tpu.memory_space<hbm>>
      tpu.wait_dma2 semaphore(%run_scoped3A : memref<!tpu.dma_semaphore, #tpu.memory_space<semaphore_mem>>) src(%dma_wait3A_666 : memref<8xi32, #tpu.memory_space<hbm>>) dst(%arg6 : memref<8xi32, #tpu.memory_space<vmem>>)
      tpu.yield
    }) : () -> ()
    %dma_start3A = arith.constant 0 : i32
    %dma_start3A_30 = arith.constant 0 : i32
    %dma_start3A_31 = tpu.memref_slice %arg3[%dma_start3A, %dma_start3A_30] : memref<1000000x128xf32, #tpu.memory_space<hbm>> -> memref<1000000x128xf32, #tpu.memory_space<hbm>>
    tpu.enqueue_indirect_dma source(%dma_start3A_31 : memref<1000000x128xf32, #tpu.memory_space<hbm>>) target(%arg7 : memref<8x128xf32, #tpu.memory_space<vmem>>) offsets(%arg6 : memref<8xi32, #tpu.memory_space<vmem>>) semaphore(%arg9 : memref<!tpu.dma_semaphore, #tpu.memory_space<semaphore_mem>>)
    %dma_wait3A = arith.constant 0 : i32
    %dma_wait3A_32 = arith.constant 0 : i32
    %dma_wait3A_33 = tpu.memref_slice %arg3[%dma_wait3A, %dma_wait3A_32] : memref<1000000x128xf32, #tpu.memory_space<hbm>> -> memref<1000000x128xf32, #tpu.memory_space<hbm>>
    tpu.wait_indirect_dma semaphore(%arg9 : memref<!tpu.dma_semaphore, #tpu.memory_space<semaphore_mem>>) src(%dma_wait3A_33 : memref<1000000x128xf32, #tpu.memory_space<hbm>>) dst(%arg7 : memref<8x128xf32, #tpu.memory_space<vmem>>)
    %mul3A_34 = arith.constant 8 : i32
    %mul3A_35 = arith.muli %arg1, %mul3A_34 : i32
    %dma_start3A_36 = arith.constant 0 : i32
    %dma_start3A_37 = tpu.memref_slice %arg4[%mul3A_35, %dma_start3A_36] : memref<128x128xf32, #tpu.memory_space<hbm>> -> memref<8x128xf32, #tpu.memory_space<hbm>>
    %dma_start3A_38 = arith.constant 0 : i32
    %dma_start3A_39 = tpu.memref_slice %arg4[%mul3A_35, %dma_start3A_38] : memref<128x128xf32, #tpu.memory_space<hbm>> -> memref<8x128xf32, #tpu.memory_space<hbm>>
    tpu.enqueue_dma source(%arg7 : memref<8x128xf32, #tpu.memory_space<vmem>>) target(%dma_start3A_39 : memref<8x128xf32, #tpu.memory_space<hbm>>) target_semaphore(%arg10 : memref<!tpu.dma_semaphore, #tpu.memory_space<semaphore_mem>>)
    %iota3A = tpu.iota {dimensions = array<i32: 0>} : vector<16xi32>
    %get3A = arith.constant 0 : i32
    %get3A_40 = arith.index_cast %get3A : i32 to index
    %get3A_41 = arith.constant 0 : index
    %get3A_42 = tpu.vector_load %arg7[%get3A_40, %get3A_41] {strides = array<i32>} : memref<8x128xf32, #tpu.memory_space<vmem>>, vector<1x16xf32>,
    %get3A_43 = vector.shape_cast %get3A_42 : vector<1x16xf32> to vector<16xf32>
    %exp3A = math.exp %get3A_43 : vector<16xf32>
    %get3A_44 = arith.constant 0 : i32
    %get3A_45 = arith.index_cast %get3A_44 : i32 to index
    %get3A_46 = arith.constant 16 : index
    %get3A_47 = tpu.vector_load %arg7[%get3A_45, %get3A_46] {strides = array<i32>} : memref<8x128xf32, #tpu.memory_space<vmem>>, vector<1x16xf32>,
    %get3A_48 = vector.shape_cast %get3A_47 : vector<1x16xf32> to vector<16xf32>
    %exp3A_49 = math.exp %get3A_48 : vector<16xf32>
    %add3A_50 = arith.addf %exp3A, %exp3A_49 : vector<16xf32>
    %get3A_51 = arith.constant 0 : i32
    %get3A_52 = arith.index_cast %get3A_51 : i32 to index
    %get3A_53 = arith.constant 32 : index
    %get3A_54 = tpu.vector_load %arg7[%get3A_52, %get3A_53] {strides = array<i32>} : memref<8x128xf32, #tpu.memory_space<vmem>>, vector<1x16xf32>,
    %get3A_55 = vector.shape_cast %get3A_54 : vector<1x16xf32> to vector<16xf32>
    %exp3A_56 = math.exp %get3A_55 : vector<16xf32>
    %add3A_57 = arith.addf %add3A_50, %exp3A_56 : vector<16xf32>
    %get3A_58 = arith.constant 0 : i32
    %get3A_59 = arith.index_cast %get3A_58 : i32 to index
    %get3A_60 = arith.constant 48 : index
    %get3A_61 = tpu.vector_load %arg7[%get3A_59, %get3A_60] {strides = array<i32>} : memref<8x128xf32, #tpu.memory_space<vmem>>, vector<1x16xf32>,
    %get3A_62 = vector.shape_cast %get3A_61 : vector<1x16xf32> to vector<16xf32>
    %exp3A_63 = math.exp %get3A_62 : vector<16xf32>
    %add3A_64 = arith.addf %add3A_57, %exp3A_63 : vector<16xf32>
    %get3A_65 = arith.constant 0 : i32
    %get3A_66 = arith.index_cast %get3A_65 : i32 to index
    %get3A_67 = arith.constant 64 : index
    %get3A_68 = tpu.vector_load %arg7[%get3A_66, %get3A_67] {strides = array<i32>} : memref<8x128xf32, #tpu.memory_space<vmem>>, vector<1x16xf32>,
    %get3A_69 = vector.shape_cast %get3A_68 : vector<1x16xf32> to vector<16xf32>
    %exp3A_70 = math.exp %get3A_69 : vector<16xf32>
    %add3A_71 = arith.addf %add3A_64, %exp3A_70 : vector<16xf32>
    %get3A_72 = arith.constant 0 : i32
    %get3A_73 = arith.index_cast %get3A_72 : i32 to index
    %get3A_74 = arith.constant 80 : index
    %get3A_75 = tpu.vector_load %arg7[%get3A_73, %get3A_74] {strides = array<i32>} : memref<8x128xf32, #tpu.memory_space<vmem>>, vector<1x16xf32>,
    %get3A_76 = vector.shape_cast %get3A_75 : vector<1x16xf32> to vector<16xf32>
    %exp3A_77 = math.exp %get3A_76 : vector<16xf32>
    %add3A_78 = arith.addf %add3A_71, %exp3A_77 : vector<16xf32>
    %get3A_79 = arith.constant 0 : i32
    %get3A_80 = arith.index_cast %get3A_79 : i32 to index
    %get3A_81 = arith.constant 96 : index
    %get3A_82 = tpu.vector_load %arg7[%get3A_80, %get3A_81] {strides = array<i32>} : memref<8x128xf32, #tpu.memory_space<vmem>>, vector<1x16xf32>,
    %get3A_83 = vector.shape_cast %get3A_82 : vector<1x16xf32> to vector<16xf32>
    %exp3A_84 = math.exp %get3A_83 : vector<16xf32>
    %add3A_85 = arith.addf %add3A_78, %exp3A_84 : vector<16xf32>
    %get3A_86 = arith.constant 0 : i32
    %get3A_87 = arith.index_cast %get3A_86 : i32 to index
    %get3A_88 = arith.constant 112 : index
    %get3A_89 = tpu.vector_load %arg7[%get3A_87, %get3A_88] {strides = array<i32>} : memref<8x128xf32, #tpu.memory_space<vmem>>, vector<1x16xf32>,
    %get3A_90 = vector.shape_cast %get3A_89 : vector<1x16xf32> to vector<16xf32>
    %exp3A_91 = math.exp %get3A_90 : vector<16xf32>
    %add3A_92 = arith.addf %add3A_85, %exp3A_91 : vector<16xf32>
    %get3A_93 = arith.constant 1 : i32
    %get3A_94 = arith.index_cast %get3A_93 : i32 to index
    %get3A_95 = arith.constant 0 : index
    %get3A_96 = tpu.vector_load %arg7[%get3A_94, %get3A_95] {strides = array<i32>} : memref<8x128xf32, #tpu.memory_space<vmem>>, vector<1x16xf32>,
    %get3A_97 = vector.shape_cast %get3A_96 : vector<1x16xf32> to vector<16xf32>
    %exp3A_98 = math.exp %get3A_97 : vector<16xf32>
    %get3A_99 = arith.constant 1 : i32
    %get3A_100 = arith.index_cast %get3A_99 : i32 to index
    %get3A_101 = arith.constant 16 : index
    %get3A_102 = tpu.vector_load %arg7[%get3A_100, %get3A_101] {strides = array<i32>} : memref<8x128xf32, #tpu.memory_space<vmem>>, vector<1x16xf32>,
    %get3A_103 = vector.shape_cast %get3A_102 : vector<1x16xf32> to vector<16xf32>
    %exp3A_104 = math.exp %get3A_103 : vector<16xf32>
    %add3A_105 = arith.addf %exp3A_98, %exp3A_104 : vector<16xf32>
    %get3A_106 = arith.constant 1 : i32
    %get3A_107 = arith.index_cast %get3A_106 : i32 to index
    %get3A_108 = arith.constant 32 : index
    %get3A_109 = tpu.vector_load %arg7[%get3A_107, %get3A_108] {strides = array<i32>} : memref<8x128xf32, #tpu.memory_space<vmem>>, vector<1x16xf32>,
    %get3A_110 = vector.shape_cast %get3A_109 : vector<1x16xf32> to vector<16xf32>
    %exp3A_111 = math.exp %get3A_110 : vector<16xf32>
    %add3A_112 = arith.addf %add3A_105, %exp3A_111 : vector<16xf32>
    %get3A_113 = arith.constant 1 : i32
    %get3A_114 = arith.index_cast %get3A_113 : i32 to index
    %get3A_115 = arith.constant 48 : index
    %get3A_116 = tpu.vector_load %arg7[%get3A_114, %get3A_115] {strides = array<i32>} : memref<8x128xf32, #tpu.memory_space<vmem>>, vector<1x16xf32>,
    %get3A_117 = vector.shape_cast %get3A_116 : vector<1x16xf32> to vector<16xf32>
    %exp3A_118 = math.exp %get3A_117 : vector<16xf32>
    %add3A_119 = arith.addf %add3A_112, %exp3A_118 : vector<16xf32>
    %get3A_120 = arith.constant 1 : i32
    %get3A_121 = arith.index_cast %get3A_120 : i32 to index
    %get3A_122 = arith.constant 64 : index
    %get3A_123 = tpu.vector_load %arg7[%get3A_121, %get3A_122] {strides = array<i32>} : memref<8x128xf32, #tpu.memory_space<vmem>>, vector<1x16xf32>,
    %get3A_124 = vector.shape_cast %get3A_123 : vector<1x16xf32> to vector<16xf32>
    %exp3A_125 = math.exp %get3A_124 : vector<16xf32>
    %add3A_126 = arith.addf %add3A_119, %exp3A_125 : vector<16xf32>
    %get3A_127 = arith.constant 1 : i32
    %get3A_128 = arith.index_cast %get3A_127 : i32 to index
    %get3A_129 = arith.constant 80 : index
    %get3A_130 = tpu.vector_load %arg7[%get3A_128, %get3A_129] {strides = array<i32>} : memref<8x128xf32, #tpu.memory_space<vmem>>, vector<1x16xf32>,
    %get3A_131 = vector.shape_cast %get3A_130 : vector<1x16xf32> to vector<16xf32>
    %exp3A_132 = math.exp %get3A_131 : vector<16xf32>
    %add3A_133 = arith.addf %add3A_126, %exp3A_132 : vector<16xf32>
    %get3A_134 = arith.constant 1 : i32
    %get3A_135 = arith.index_cast %get3A_134 : i32 to index
    %get3A_136 = arith.constant 96 : index
    %get3A_137 = tpu.vector_load %arg7[%get3A_135, %get3A_136] {strides = array<i32>} : memref<8x128xf32, #tpu.memory_space<vmem>>, vector<1x16xf32>,
    %get3A_138 = vector.shape_cast %get3A_137 : vector<1x16xf32> to vector<16xf32>
    %exp3A_139 = math.exp %get3A_138 : vector<16xf32>
    %add3A_140 = arith.addf %add3A_133, %exp3A_139 : vector<16xf32>
    %get3A_141 = arith.constant 1 : i32
    %get3A_142 = arith.index_cast %get3A_141 : i32 to index
    %get3A_143 = arith.constant 112 : index
    %get3A_144 = tpu.vector_load %arg7[%get3A_142, %get3A_143] {strides = array<i32>} : memref<8x128xf32, #tpu.memory_space<vmem>>, vector<1x16xf32>,
    %get3A_145 = vector.shape_cast %get3A_144 : vector<1x16xf32> to vector<16xf32>
    %exp3A_146 = math.exp %get3A_145 : vector<16xf32>
    %add3A_147 = arith.addf %add3A_140, %exp3A_146 : vector<16xf32>
    %get3A_148 = arith.constant 2 : i32
    %get3A_149 = arith.index_cast %get3A_148 : i32 to index
    %get3A_150 = arith.constant 0 : index
    %get3A_151 = tpu.vector_load %arg7[%get3A_149, %get3A_150] {strides = array<i32>} : memref<8x128xf32, #tpu.memory_space<vmem>>, vector<1x16xf32>,
    %get3A_152 = vector.shape_cast %get3A_151 : vector<1x16xf32> to vector<16xf32>
    %exp3A_153 = math.exp %get3A_152 : vector<16xf32>
    %get3A_154 = arith.constant 2 : i32
    %get3A_155 = arith.index_cast %get3A_154 : i32 to index
    %get3A_156 = arith.constant 16 : index
    %get3A_157 = tpu.vector_load %arg7[%get3A_155, %get3A_156] {strides = array<i32>} : memref<8x128xf32, #tpu.memory_space<vmem>>, vector<1x16xf32>,
    %get3A_158 = vector.shape_cast %get3A_157 : vector<1x16xf32> to vector<16xf32>
    %exp3A_159 = math.exp %get3A_158 : vector<16xf32>
    %add3A_160 = arith.addf %exp3A_153, %exp3A_159 : vector<16xf32>
    %get3A_161 = arith.constant 2 : i32
    %get3A_162 = arith.index_cast %get3A_161 : i32 to index
    %get3A_163 = arith.constant 32 : index
    %get3A_164 = tpu.vector_load %arg7[%get3A_162, %get3A_163] {strides = array<i32>} : memref<8x128xf32, #tpu.memory_space<vmem>>, vector<1x16xf32>,
    %get3A_165 = vector.shape_cast %get3A_164 : vector<1x16xf32> to vector<16xf32>
    %exp3A_166 = math.exp %get3A_165 : vector<16xf32>
    %add3A_167 = arith.addf %add3A_160, %exp3A_166 : vector<16xf32>
    %get3A_168 = arith.constant 2 : i32
    %get3A_169 = arith.index_cast %get3A_168 : i32 to index
    %get3A_170 = arith.constant 48 : index
    %get3A_171 = tpu.vector_load %arg7[%get3A_169, %get3A_170] {strides = array<i32>} : memref<8x128xf32, #tpu.memory_space<vmem>>, vector<1x16xf32>,
    %get3A_172 = vector.shape_cast %get3A_171 : vector<1x16xf32> to vector<16xf32>
    %exp3A_173 = math.exp %get3A_172 : vector<16xf32>
    %add3A_174 = arith.addf %add3A_167, %exp3A_173 : vector<16xf32>
    %get3A_175 = arith.constant 2 : i32
    %get3A_176 = arith.index_cast %get3A_175 : i32 to index
    %get3A_177 = arith.constant 64 : index
    %get3A_178 = tpu.vector_load %arg7[%get3A_176, %get3A_177] {strides = array<i32>} : memref<8x128xf32, #tpu.memory_space<vmem>>, vector<1x16xf32>,
    %get3A_179 = vector.shape_cast %get3A_178 : vector<1x16xf32> to vector<16xf32>
    %exp3A_180 = math.exp %get3A_179 : vector<16xf32>
    %add3A_181 = arith.addf %add3A_174, %exp3A_180 : vector<16xf32>
    %get3A_182 = arith.constant 2 : i32
    %get3A_183 = arith.index_cast %get3A_182 : i32 to index
    %get3A_184 = arith.constant 80 : index
    %get3A_185 = tpu.vector_load %arg7[%get3A_183, %get3A_184] {strides = array<i32>} : memref<8x128xf32, #tpu.memory_space<vmem>>, vector<1x16xf32>,
    %get3A_186 = vector.shape_cast %get3A_185 : vector<1x16xf32> to vector<16xf32>
    %exp3A_187 = math.exp %get3A_186 : vector<16xf32>
    %add3A_188 = arith.addf %add3A_181, %exp3A_187 : vector<16xf32>
    %get3A_189 = arith.constant 2 : i32
    %get3A_190 = arith.index_cast %get3A_189 : i32 to index
    %get3A_191 = arith.constant 96 : index
    %get3A_192 = tpu.vector_load %arg7[%get3A_190, %get3A_191] {strides = array<i32>} : memref<8x128xf32, #tpu.memory_space<vmem>>, vector<1x16xf32>,
    %get3A_193 = vector.shape_cast %get3A_192 : vector<1x16xf32> to vector<16xf32>
    %exp3A_194 = math.exp %get3A_193 : vector<16xf32>
    %add3A_195 = arith.addf %add3A_188, %exp3A_194 : vector<16xf32>
    %get3A_196 = arith.constant 2 : i32
    %get3A_197 = arith.index_cast %get3A_196 : i32 to index
    %get3A_198 = arith.constant 112 : index
    %get3A_199 = tpu.vector_load %arg7[%get3A_197, %get3A_198] {strides = array<i32>} : memref<8x128xf32, #tpu.memory_space<vmem>>, vector<1x16xf32>,
    %get3A_200 = vector.shape_cast %get3A_199 : vector<1x16xf32> to vector<16xf32>
    %exp3A_201 = math.exp %get3A_200 : vector<16xf32>
    %add3A_202 = arith.addf %add3A_195, %exp3A_201 : vector<16xf32>
    %get3A_203 = arith.constant 3 : i32
    %get3A_204 = arith.index_cast %get3A_203 : i32 to index
    %get3A_205 = arith.constant 0 : index
    %get3A_206 = tpu.vector_load %arg7[%get3A_204, %get3A_205] {strides = array<i32>} : memref<8x128xf32, #tpu.memory_space<vmem>>, vector<1x16xf32>,
    %get3A_207 = vector.shape_cast %get3A_206 : vector<1x16xf32> to vector<16xf32>
    %exp3A_208 = math.exp %get3A_207 : vector<16xf32>
    %get3A_209 = arith.constant 3 : i32
    %get3A_210 = arith.index_cast %get3A_209 : i32 to index
    %get3A_211 = arith.constant 16 : index
    %get3A_212 = tpu.vector_load %arg7[%get3A_210, %get3A_211] {strides = array<i32>} : memref<8x128xf32, #tpu.memory_space<vmem>>, vector<1x16xf32>,
    %get3A_213 = vector.shape_cast %get3A_212 : vector<1x16xf32> to vector<16xf32>
    %exp3A_214 = math.exp %get3A_213 : vector<16xf32>
    %add3A_215 = arith.addf %exp3A_208, %exp3A_214 : vector<16xf32>
    %get3A_216 = arith.constant 3 : i32
    %get3A_217 = arith.index_cast %get3A_216 : i32 to index
    %get3A_218 = arith.constant 32 : index
    %get3A_219 = tpu.vector_load %arg7[%get3A_217, %get3A_218] {strides = array<i32>} : memref<8x128xf32, #tpu.memory_space<vmem>>, vector<1x16xf32>,
    %get3A_220 = vector.shape_cast %get3A_219 : vector<1x16xf32> to vector<16xf32>
    %exp3A_221 = math.exp %get3A_220 : vector<16xf32>
    %add3A_222 = arith.addf %add3A_215, %exp3A_221 : vector<16xf32>
    %get3A_223 = arith.constant 3 : i32
    %get3A_224 = arith.index_cast %get3A_223 : i32 to index
    %get3A_225 = arith.constant 48 : index
    %get3A_226 = tpu.vector_load %arg7[%get3A_224, %get3A_225] {strides = array<i32>} : memref<8x128xf32, #tpu.memory_space<vmem>>, vector<1x16xf32>,
    %get3A_227 = vector.shape_cast %get3A_226 : vector<1x16xf32> to vector<16xf32>
    %exp3A_228 = math.exp %get3A_227 : vector<16xf32>
    %add3A_229 = arith.addf %add3A_222, %exp3A_228 : vector<16xf32>
    %get3A_230 = arith.constant 3 : i32
    %get3A_231 = arith.index_cast %get3A_230 : i32 to index
    %get3A_232 = arith.constant 64 : index
    %get3A_233 = tpu.vector_load %arg7[%get3A_231, %get3A_232] {strides = array<i32>} : memref<8x128xf32, #tpu.memory_space<vmem>>, vector<1x16xf32>,
    %get3A_234 = vector.shape_cast %get3A_233 : vector<1x16xf32> to vector<16xf32>
    %exp3A_235 = math.exp %get3A_234 : vector<16xf32>
    %add3A_236 = arith.addf %add3A_229, %exp3A_235 : vector<16xf32>
    %get3A_237 = arith.constant 3 : i32
    %get3A_238 = arith.index_cast %get3A_237 : i32 to index
    %get3A_239 = arith.constant 80 : index
    %get3A_240 = tpu.vector_load %arg7[%get3A_238, %get3A_239] {strides = array<i32>} : memref<8x128xf32, #tpu.memory_space<vmem>>, vector<1x16xf32>,
    %get3A_241 = vector.shape_cast %get3A_240 : vector<1x16xf32> to vector<16xf32>
    %exp3A_242 = math.exp %get3A_241 : vector<16xf32>
    %add3A_243 = arith.addf %add3A_236, %exp3A_242 : vector<16xf32>
    %get3A_244 = arith.constant 3 : i32
    %get3A_245 = arith.index_cast %get3A_244 : i32 to index
    %get3A_246 = arith.constant 96 : index
    %get3A_247 = tpu.vector_load %arg7[%get3A_245, %get3A_246] {strides = array<i32>} : memref<8x128xf32, #tpu.memory_space<vmem>>, vector<1x16xf32>,
    %get3A_248 = vector.shape_cast %get3A_247 : vector<1x16xf32> to vector<16xf32>
    %exp3A_249 = math.exp %get3A_248 : vector<16xf32>
    %add3A_250 = arith.addf %add3A_243, %exp3A_249 : vector<16xf32>
    %get3A_251 = arith.constant 3 : i32
    %get3A_252 = arith.index_cast %get3A_251 : i32 to index
    %get3A_253 = arith.constant 112 : index
    %get3A_254 = tpu.vector_load %arg7[%get3A_252, %get3A_253] {strides = array<i32>} : memref<8x128xf32, #tpu.memory_space<vmem>>, vector<1x16xf32>,
    %get3A_255 = vector.shape_cast %get3A_254 : vector<1x16xf32> to vector<16xf32>
    %exp3A_256 = math.exp %get3A_255 : vector<16xf32>
    %add3A_257 = arith.addf %add3A_250, %exp3A_256 : vector<16xf32>
    %get3A_258 = arith.constant 4 : i32
    %get3A_259 = arith.index_cast %get3A_258 : i32 to index
    %get3A_260 = arith.constant 0 : index
    %get3A_261 = tpu.vector_load %arg7[%get3A_259, %get3A_260] {strides = array<i32>} : memref<8x128xf32, #tpu.memory_space<vmem>>, vector<1x16xf32>,
    %get3A_262 = vector.shape_cast %get3A_261 : vector<1x16xf32> to vector<16xf32>
    %exp3A_263 = math.exp %get3A_262 : vector<16xf32>
    %get3A_264 = arith.constant 4 : i32
    %get3A_265 = arith.index_cast %get3A_264 : i32 to index
    %get3A_266 = arith.constant 16 : index
    %get3A_267 = tpu.vector_load %arg7[%get3A_265, %get3A_266] {strides = array<i32>} : memref<8x128xf32, #tpu.memory_space<vmem>>, vector<1x16xf32>,
    %get3A_268 = vector.shape_cast %get3A_267 : vector<1x16xf32> to vector<16xf32>
    %exp3A_269 = math.exp %get3A_268 : vector<16xf32>
    %add3A_270 = arith.addf %exp3A_263, %exp3A_269 : vector<16xf32>
    %get3A_271 = arith.constant 4 : i32
    %get3A_272 = arith.index_cast %get3A_271 : i32 to index
    %get3A_273 = arith.constant 32 : index
    %get3A_274 = tpu.vector_load %arg7[%get3A_272, %get3A_273] {strides = array<i32>} : memref<8x128xf32, #tpu.memory_space<vmem>>, vector<1x16xf32>,
    %get3A_275 = vector.shape_cast %get3A_274 : vector<1x16xf32> to vector<16xf32>
    %exp3A_276 = math.exp %get3A_275 : vector<16xf32>
    %add3A_277 = arith.addf %add3A_270, %exp3A_276 : vector<16xf32>
    %get3A_278 = arith.constant 4 : i32
    %get3A_279 = arith.index_cast %get3A_278 : i32 to index
    %get3A_280 = arith.constant 48 : index
    %get3A_281 = tpu.vector_load %arg7[%get3A_279, %get3A_280] {strides = array<i32>} : memref<8x128xf32, #tpu.memory_space<vmem>>, vector<1x16xf32>,
    %get3A_282 = vector.shape_cast %get3A_281 : vector<1x16xf32> to vector<16xf32>
    %exp3A_283 = math.exp %get3A_282 : vector<16xf32>
    %add3A_284 = arith.addf %add3A_277, %exp3A_283 : vector<16xf32>
    %get3A_285 = arith.constant 4 : i32
    %get3A_286 = arith.index_cast %get3A_285 : i32 to index
    %get3A_287 = arith.constant 64 : index
    %get3A_288 = tpu.vector_load %arg7[%get3A_286, %get3A_287] {strides = array<i32>} : memref<8x128xf32, #tpu.memory_space<vmem>>, vector<1x16xf32>,
    %get3A_289 = vector.shape_cast %get3A_288 : vector<1x16xf32> to vector<16xf32>
    %exp3A_290 = math.exp %get3A_289 : vector<16xf32>
    %add3A_291 = arith.addf %add3A_284, %exp3A_290 : vector<16xf32>
    %get3A_292 = arith.constant 4 : i32
    %get3A_293 = arith.index_cast %get3A_292 : i32 to index
    %get3A_294 = arith.constant 80 : index
    %get3A_295 = tpu.vector_load %arg7[%get3A_293, %get3A_294] {strides = array<i32>} : memref<8x128xf32, #tpu.memory_space<vmem>>, vector<1x16xf32>,
    %get3A_296 = vector.shape_cast %get3A_295 : vector<1x16xf32> to vector<16xf32>
    %exp3A_297 = math.exp %get3A_296 : vector<16xf32>
    %add3A_298 = arith.addf %add3A_291, %exp3A_297 : vector<16xf32>
    %get3A_299 = arith.constant 4 : i32
    %get3A_300 = arith.index_cast %get3A_299 : i32 to index
    %get3A_301 = arith.constant 96 : index
    %get3A_302 = tpu.vector_load %arg7[%get3A_300, %get3A_301] {strides = array<i32>} : memref<8x128xf32, #tpu.memory_space<vmem>>, vector<1x16xf32>,
    %get3A_303 = vector.shape_cast %get3A_302 : vector<1x16xf32> to vector<16xf32>
    %exp3A_304 = math.exp %get3A_303 : vector<16xf32>
    %add3A_305 = arith.addf %add3A_298, %exp3A_304 : vector<16xf32>
    %get3A_306 = arith.constant 4 : i32
    %get3A_307 = arith.index_cast %get3A_306 : i32 to index
    %get3A_308 = arith.constant 112 : index
    %get3A_309 = tpu.vector_load %arg7[%get3A_307, %get3A_308] {strides = array<i32>} : memref<8x128xf32, #tpu.memory_space<vmem>>, vector<1x16xf32>,
    %get3A_310 = vector.shape_cast %get3A_309 : vector<1x16xf32> to vector<16xf32>
    %exp3A_311 = math.exp %get3A_310 : vector<16xf32>
    %add3A_312 = arith.addf %add3A_305, %exp3A_311 : vector<16xf32>
    %get3A_313 = arith.constant 5 : i32
    %get3A_314 = arith.index_cast %get3A_313 : i32 to index
    %get3A_315 = arith.constant 0 : index
    %get3A_316 = tpu.vector_load %arg7[%get3A_314, %get3A_315] {strides = array<i32>} : memref<8x128xf32, #tpu.memory_space<vmem>>, vector<1x16xf32>,
    %get3A_317 = vector.shape_cast %get3A_316 : vector<1x16xf32> to vector<16xf32>
    %exp3A_318 = math.exp %get3A_317 : vector<16xf32>
    %get3A_319 = arith.constant 5 : i32
    %get3A_320 = arith.index_cast %get3A_319 : i32 to index
    %get3A_321 = arith.constant 16 : index
    %get3A_322 = tpu.vector_load %arg7[%get3A_320, %get3A_321] {strides = array<i32>} : memref<8x128xf32, #tpu.memory_space<vmem>>, vector<1x16xf32>,
    %get3A_323 = vector.shape_cast %get3A_322 : vector<1x16xf32> to vector<16xf32>
    %exp3A_324 = math.exp %get3A_323 : vector<16xf32>
    %add3A_325 = arith.addf %exp3A_318, %exp3A_324 : vector<16xf32>
    %get3A_326 = arith.constant 5 : i32
    %get3A_327 = arith.index_cast %get3A_326 : i32 to index
    %get3A_328 = arith.constant 32 : index
    %get3A_329 = tpu.vector_load %arg7[%get3A_327, %get3A_328] {strides = array<i32>} : memref<8x128xf32, #tpu.memory_space<vmem>>, vector<1x16xf32>,
    %get3A_330 = vector.shape_cast %get3A_329 : vector<1x16xf32> to vector<16xf32>
    %exp3A_331 = math.exp %get3A_330 : vector<16xf32>
    %add3A_332 = arith.addf %add3A_325, %exp3A_331 : vector<16xf32>
    %get3A_333 = arith.constant 5 : i32
    %get3A_334 = arith.index_cast %get3A_333 : i32 to index
    %get3A_335 = arith.constant 48 : index
    %get3A_336 = tpu.vector_load %arg7[%get3A_334, %get3A_335] {strides = array<i32>} : memref<8x128xf32, #tpu.memory_space<vmem>>, vector<1x16xf32>,
    %get3A_337 = vector.shape_cast %get3A_336 : vector<1x16xf32> to vector<16xf32>
    %exp3A_338 = math.exp %get3A_337 : vector<16xf32>
    %add3A_339 = arith.addf %add3A_332, %exp3A_338 : vector<16xf32>
    %get3A_340 = arith.constant 5 : i32
    %get3A_341 = arith.index_cast %get3A_340 : i32 to index
    %get3A_342 = arith.constant 64 : index
    %get3A_343 = tpu.vector_load %arg7[%get3A_341, %get3A_342] {strides = array<i32>} : memref<8x128xf32, #tpu.memory_space<vmem>>, vector<1x16xf32>,
    %get3A_344 = vector.shape_cast %get3A_343 : vector<1x16xf32> to vector<16xf32>
    %exp3A_345 = math.exp %get3A_344 : vector<16xf32>
    %add3A_346 = arith.addf %add3A_339, %exp3A_345 : vector<16xf32>
    %get3A_347 = arith.constant 5 : i32
    %get3A_348 = arith.index_cast %get3A_347 : i32 to index
    %get3A_349 = arith.constant 80 : index
    %get3A_350 = tpu.vector_load %arg7[%get3A_348, %get3A_349] {strides = array<i32>} : memref<8x128xf32, #tpu.memory_space<vmem>>, vector<1x16xf32>,
    %get3A_351 = vector.shape_cast %get3A_350 : vector<1x16xf32> to vector<16xf32>
    %exp3A_352 = math.exp %get3A_351 : vector<16xf32>
    %add3A_353 = arith.addf %add3A_346, %exp3A_352 : vector<16xf32>
    %get3A_354 = arith.constant 5 : i32
    %get3A_355 = arith.index_cast %get3A_354 : i32 to index
    %get3A_356 = arith.constant 96 : index
    %get3A_357 = tpu.vector_load %arg7[%get3A_355, %get3A_356] {strides = array<i32>} : memref<8x128xf32, #tpu.memory_space<vmem>>, vector<1x16xf32>,
    %get3A_358 = vector.shape_cast %get3A_357 : vector<1x16xf32> to vector<16xf32>
    %exp3A_359 = math.exp %get3A_358 : vector<16xf32>
    %add3A_360 = arith.addf %add3A_353, %exp3A_359 : vector<16xf32>
    %get3A_361 = arith.constant 5 : i32
    %get3A_362 = arith.index_cast %get3A_361 : i32 to index
    %get3A_363 = arith.constant 112 : index
    %get3A_364 = tpu.vector_load %arg7[%get3A_362, %get3A_363] {strides = array<i32>} : memref<8x128xf32, #tpu.memory_space<vmem>>, vector<1x16xf32>,
    %get3A_365 = vector.shape_cast %get3A_364 : vector<1x16xf32> to vector<16xf32>
    %exp3A_366 = math.exp %get3A_365 : vector<16xf32>
    %add3A_367 = arith.addf %add3A_360, %exp3A_366 : vector<16xf32>
    %get3A_368 = arith.constant 6 : i32
    %get3A_369 = arith.index_cast %get3A_368 : i32 to index
    %get3A_370 = arith.constant 0 : index
    %get3A_371 = tpu.vector_load %arg7[%get3A_369, %get3A_370] {strides = array<i32>} : memref<8x128xf32, #tpu.memory_space<vmem>>, vector<1x16xf32>,
    %get3A_372 = vector.shape_cast %get3A_371 : vector<1x16xf32> to vector<16xf32>
    %exp3A_373 = math.exp %get3A_372 : vector<16xf32>
    %get3A_374 = arith.constant 6 : i32
    %get3A_375 = arith.index_cast %get3A_374 : i32 to index
    %get3A_376 = arith.constant 16 : index
    %get3A_377 = tpu.vector_load %arg7[%get3A_375, %get3A_376] {strides = array<i32>} : memref<8x128xf32, #tpu.memory_space<vmem>>, vector<1x16xf32>,
    %get3A_378 = vector.shape_cast %get3A_377 : vector<1x16xf32> to vector<16xf32>
    %exp3A_379 = math.exp %get3A_378 : vector<16xf32>
    %add3A_380 = arith.addf %exp3A_373, %exp3A_379 : vector<16xf32>
    %get3A_381 = arith.constant 6 : i32
    %get3A_382 = arith.index_cast %get3A_381 : i32 to index
    %get3A_383 = arith.constant 32 : index
    %get3A_384 = tpu.vector_load %arg7[%get3A_382, %get3A_383] {strides = array<i32>} : memref<8x128xf32, #tpu.memory_space<vmem>>, vector<1x16xf32>,
    %get3A_385 = vector.shape_cast %get3A_384 : vector<1x16xf32> to vector<16xf32>
    %exp3A_386 = math.exp %get3A_385 : vector<16xf32>
    %add3A_387 = arith.addf %add3A_380, %exp3A_386 : vector<16xf32>
    %get3A_388 = arith.constant 6 : i32
    %get3A_389 = arith.index_cast %get3A_388 : i32 to index
    %get3A_390 = arith.constant 48 : index
    %get3A_391 = tpu.vector_load %arg7[%get3A_389, %get3A_390] {strides = array<i32>} : memref<8x128xf32, #tpu.memory_space<vmem>>, vector<1x16xf32>,
    %get3A_392 = vector.shape_cast %get3A_391 : vector<1x16xf32> to vector<16xf32>
    %exp3A_393 = math.exp %get3A_392 : vector<16xf32>
    %add3A_394 = arith.addf %add3A_387, %exp3A_393 : vector<16xf32>
    %get3A_395 = arith.constant 6 : i32
    %get3A_396 = arith.index_cast %get3A_395 : i32 to index
    %get3A_397 = arith.constant 64 : index
    %get3A_398 = tpu.vector_load %arg7[%get3A_396, %get3A_397] {strides = array<i32>} : memref<8x128xf32, #tpu.memory_space<vmem>>, vector<1x16xf32>,
    %get3A_399 = vector.shape_cast %get3A_398 : vector<1x16xf32> to vector<16xf32>
    %exp3A_400 = math.exp %get3A_399 : vector<16xf32>
    %add3A_401 = arith.addf %add3A_394, %exp3A_400 : vector<16xf32>
    %get3A_402 = arith.constant 6 : i32
    %get3A_403 = arith.index_cast %get3A_402 : i32 to index
    %get3A_404 = arith.constant 80 : index
    %get3A_405 = tpu.vector_load %arg7[%get3A_403, %get3A_404] {strides = array<i32>} : memref<8x128xf32, #tpu.memory_space<vmem>>, vector<1x16xf32>,
    %get3A_406 = vector.shape_cast %get3A_405 : vector<1x16xf32> to vector<16xf32>
    %exp3A_407 = math.exp %get3A_406 : vector<16xf32>
    %add3A_408 = arith.addf %add3A_401, %exp3A_407 : vector<16xf32>
    %get3A_409 = arith.constant 6 : i32
    %get3A_410 = arith.index_cast %get3A_409 : i32 to index
    %get3A_411 = arith.constant 96 : index
    %get3A_412 = tpu.vector_load %arg7[%get3A_410, %get3A_411] {strides = array<i32>} : memref<8x128xf32, #tpu.memory_space<vmem>>, vector<1x16xf32>,
    %get3A_413 = vector.shape_cast %get3A_412 : vector<1x16xf32> to vector<16xf32>
    %exp3A_414 = math.exp %get3A_413 : vector<16xf32>
    %add3A_415 = arith.addf %add3A_408, %exp3A_414 : vector<16xf32>
    %get3A_416 = arith.constant 6 : i32
    %get3A_417 = arith.index_cast %get3A_416 : i32 to index
    %get3A_418 = arith.constant 112 : index
    %get3A_419 = tpu.vector_load %arg7[%get3A_417, %get3A_418] {strides = array<i32>} : memref<8x128xf32, #tpu.memory_space<vmem>>, vector<1x16xf32>,
    %get3A_420 = vector.shape_cast %get3A_419 : vector<1x16xf32> to vector<16xf32>
    %exp3A_421 = math.exp %get3A_420 : vector<16xf32>
    %add3A_422 = arith.addf %add3A_415, %exp3A_421 : vector<16xf32>
    %get3A_423 = arith.constant 7 : i32
    %get3A_424 = arith.index_cast %get3A_423 : i32 to index
    %get3A_425 = arith.constant 0 : index
    %get3A_426 = tpu.vector_load %arg7[%get3A_424, %get3A_425] {strides = array<i32>} : memref<8x128xf32, #tpu.memory_space<vmem>>, vector<1x16xf32>,
    %get3A_427 = vector.shape_cast %get3A_426 : vector<1x16xf32> to vector<16xf32>
    %exp3A_428 = math.exp %get3A_427 : vector<16xf32>
    %get3A_429 = arith.constant 7 : i32
    %get3A_430 = arith.index_cast %get3A_429 : i32 to index
    %get3A_431 = arith.constant 16 : index
    %get3A_432 = tpu.vector_load %arg7[%get3A_430, %get3A_431] {strides = array<i32>} : memref<8x128xf32, #tpu.memory_space<vmem>>, vector<1x16xf32>,
    %get3A_433 = vector.shape_cast %get3A_432 : vector<1x16xf32> to vector<16xf32>
    %exp3A_434 = math.exp %get3A_433 : vector<16xf32>
    %add3A_435 = arith.addf %exp3A_428, %exp3A_434 : vector<16xf32>
    %get3A_436 = arith.constant 7 : i32
    %get3A_437 = arith.index_cast %get3A_436 : i32 to index
    %get3A_438 = arith.constant 32 : index
    %get3A_439 = tpu.vector_load %arg7[%get3A_437, %get3A_438] {strides = array<i32>} : memref<8x128xf32, #tpu.memory_space<vmem>>, vector<1x16xf32>,
    %get3A_440 = vector.shape_cast %get3A_439 : vector<1x16xf32> to vector<16xf32>
    %exp3A_441 = math.exp %get3A_440 : vector<16xf32>
    %add3A_442 = arith.addf %add3A_435, %exp3A_441 : vector<16xf32>
    %get3A_443 = arith.constant 7 : i32
    %get3A_444 = arith.index_cast %get3A_443 : i32 to index
    %get3A_445 = arith.constant 48 : index
    %get3A_446 = tpu.vector_load %arg7[%get3A_444, %get3A_445] {strides = array<i32>} : memref<8x128xf32, #tpu.memory_space<vmem>>, vector<1x16xf32>,
    %get3A_447 = vector.shape_cast %get3A_446 : vector<1x16xf32> to vector<16xf32>
    %exp3A_448 = math.exp %get3A_447 : vector<16xf32>
    %add3A_449 = arith.addf %add3A_442, %exp3A_448 : vector<16xf32>
    %get3A_450 = arith.constant 7 : i32
    %get3A_451 = arith.index_cast %get3A_450 : i32 to index
    %get3A_452 = arith.constant 64 : index
    %get3A_453 = tpu.vector_load %arg7[%get3A_451, %get3A_452] {strides = array<i32>} : memref<8x128xf32, #tpu.memory_space<vmem>>, vector<1x16xf32>,
    %get3A_454 = vector.shape_cast %get3A_453 : vector<1x16xf32> to vector<16xf32>
    %exp3A_455 = math.exp %get3A_454 : vector<16xf32>
    %add3A_456 = arith.addf %add3A_449, %exp3A_455 : vector<16xf32>
    %get3A_457 = arith.constant 7 : i32
    %get3A_458 = arith.index_cast %get3A_457 : i32 to index
    %get3A_459 = arith.constant 80 : index
    %get3A_460 = tpu.vector_load %arg7[%get3A_458, %get3A_459] {strides = array<i32>} : memref<8x128xf32, #tpu.memory_space<vmem>>, vector<1x16xf32>,
    %get3A_461 = vector.shape_cast %get3A_460 : vector<1x16xf32> to vector<16xf32>
    %exp3A_462 = math.exp %get3A_461 : vector<16xf32>
    %add3A_463 = arith.addf %add3A_456, %exp3A_462 : vector<16xf32>
    %get3A_464 = arith.constant 7 : i32
    %get3A_465 = arith.index_cast %get3A_464 : i32 to index
    %get3A_466 = arith.constant 96 : index
    %get3A_467 = tpu.vector_load %arg7[%get3A_465, %get3A_466] {strides = array<i32>} : memref<8x128xf32, #tpu.memory_space<vmem>>, vector<1x16xf32>,
    %get3A_468 = vector.shape_cast %get3A_467 : vector<1x16xf32> to vector<16xf32>
    %exp3A_469 = math.exp %get3A_468 : vector<16xf32>
    %add3A_470 = arith.addf %add3A_463, %exp3A_469 : vector<16xf32>
    %get3A_471 = arith.constant 7 : i32
    %get3A_472 = arith.index_cast %get3A_471 : i32 to index
    %get3A_473 = arith.constant 112 : index
    %get3A_474 = tpu.vector_load %arg7[%get3A_472, %get3A_473] {strides = array<i32>} : memref<8x128xf32, #tpu.memory_space<vmem>>, vector<1x16xf32>,
    %get3A_475 = vector.shape_cast %get3A_474 : vector<1x16xf32> to vector<16xf32>
    %exp3A_476 = math.exp %get3A_475 : vector<16xf32>
    %add3A_477 = arith.addf %add3A_470, %exp3A_476 : vector<16xf32>
    %and3A_478 = arith.constant 1 : i32
    %and3A_479 = vector.broadcast %and3A_478 : i32 to vector<16xi32>
    %and3A_480 = arith.andi %iota3A, %and3A_479 : vector<16xi32>
    %ne3A_481 = arith.constant 0 : i32
    %ne3A_482 = vector.broadcast %ne3A_481 : i32 to vector<16xi32>
    %ne3A_483 = arith.cmpi ne, %and3A_480, %ne3A_482 : vector<16xi32>
    %xor3A = arith.constant 1 : i32
    %xor3A_484 = vector.broadcast %xor3A : i32 to vector<16xi32>
    %xor3A_485 = arith.xori %iota3A, %xor3A_484 : vector<16xi32>
    %broadcast_in_dim3A = vector.shape_cast %xor3A_485 : vector<16xi32> to vector<16x1xi32>
    %gather3A = vector.shape_cast %broadcast_in_dim3A : vector<16x1xi32> to vector<16xi32>
    %gather3A_486 = tpu.dynamic_gather %add3A_147[%gather3A] in [0] : vector<16xf32>, vector<16xi32> -> vector<16xf32>
    %add3A_487 = arith.addf %add3A_147, %gather3A_486 : vector<16xf32>
    %xor3A_488 = arith.constant 1 : i32
    %xor3A_489 = vector.broadcast %xor3A_488 : i32 to vector<16xi32>
    %xor3A_490 = arith.xori %iota3A, %xor3A_489 : vector<16xi32>
    %broadcast_in_dim3A_491 = vector.shape_cast %xor3A_490 : vector<16xi32> to vector<16x1xi32>
    %gather3A_492 = vector.shape_cast %broadcast_in_dim3A_491 : vector<16x1xi32> to vector<16xi32>
    %gather3A_493 = tpu.dynamic_gather %add3A_92[%gather3A_492] in [0] : vector<16xf32>, vector<16xi32> -> vector<16xf32>
    %add3A_494 = arith.addf %add3A_92, %gather3A_493 : vector<16xf32>
    %select_n3A_495 = arith.select %ne3A_483, %add3A_487, %add3A_494 : vector<16xi1>, vector<16xf32>
    %xor3A_496 = arith.constant 1 : i32
    %xor3A_497 = vector.broadcast %xor3A_496 : i32 to vector<16xi32>
    %xor3A_498 = arith.xori %iota3A, %xor3A_497 : vector<16xi32>
    %broadcast_in_dim3A_499 = vector.shape_cast %xor3A_498 : vector<16xi32> to vector<16x1xi32>
    %gather3A_500 = vector.shape_cast %broadcast_in_dim3A_499 : vector<16x1xi32> to vector<16xi32>
    %gather3A_501 = tpu.dynamic_gather %add3A_257[%gather3A_500] in [0] : vector<16xf32>, vector<16xi32> -> vector<16xf32>
    %add3A_502 = arith.addf %add3A_257, %gather3A_501 : vector<16xf32>
    %xor3A_503 = arith.constant 1 : i32
    %xor3A_504 = vector.broadcast %xor3A_503 : i32 to vector<16xi32>
    %xor3A_505 = arith.xori %iota3A, %xor3A_504 : vector<16xi32>
    %broadcast_in_dim3A_506 = vector.shape_cast %xor3A_505 : vector<16xi32> to vector<16x1xi32>
    %gather3A_507 = vector.shape_cast %broadcast_in_dim3A_506 : vector<16x1xi32> to vector<16xi32>
    %gather3A_508 = tpu.dynamic_gather %add3A_202[%gather3A_507] in [0] : vector<16xf32>, vector<16xi32> -> vector<16xf32>
    %add3A_509 = arith.addf %add3A_202, %gather3A_508 : vector<16xf32>
    %select_n3A_510 = arith.select %ne3A_483, %add3A_502, %add3A_509 : vector<16xi1>, vector<16xf32>
    %xor3A_511 = arith.constant 1 : i32
    %xor3A_512 = vector.broadcast %xor3A_511 : i32 to vector<16xi32>
    %xor3A_513 = arith.xori %iota3A, %xor3A_512 : vector<16xi32>
    %broadcast_in_dim3A_514 = vector.shape_cast %xor3A_513 : vector<16xi32> to vector<16x1xi32>
    %gather3A_515 = vector.shape_cast %broadcast_in_dim3A_514 : vector<16x1xi32> to vector<16xi32>
    %gather3A_516 = tpu.dynamic_gather %add3A_367[%gather3A_515] in [0] : vector<16xf32>, vector<16xi32> -> vector<16xf32>
    %add3A_517 = arith.addf %add3A_367, %gather3A_516 : vector<16xf32>
    %xor3A_518 = arith.constant 1 : i32
    %xor3A_519 = vector.broadcast %xor3A_518 : i32 to vector<16xi32>
    %xor3A_520 = arith.xori %iota3A, %xor3A_519 : vector<16xi32>
    %broadcast_in_dim3A_521 = vector.shape_cast %xor3A_520 : vector<16xi32> to vector<16x1xi32>
    %gather3A_522 = vector.shape_cast %broadcast_in_dim3A_521 : vector<16x1xi32> to vector<16xi32>
    %gather3A_523 = tpu.dynamic_gather %add3A_312[%gather3A_522] in [0] : vector<16xf32>, vector<16xi32> -> vector<16xf32>
    %add3A_524 = arith.addf %add3A_312, %gather3A_523 : vector<16xf32>
    %select_n3A_525 = arith.select %ne3A_483, %add3A_517, %add3A_524 : vector<16xi1>, vector<16xf32>
    %xor3A_526 = arith.constant 1 : i32
    %xor3A_527 = vector.broadcast %xor3A_526 : i32 to vector<16xi32>
    %xor3A_528 = arith.xori %iota3A, %xor3A_527 : vector<16xi32>
    %broadcast_in_dim3A_529 = vector.shape_cast %xor3A_528 : vector<16xi32> to vector<16x1xi32>
    %gather3A_530 = vector.shape_cast %broadcast_in_dim3A_529 : vector<16x1xi32> to vector<16xi32>
    %gather3A_531 = tpu.dynamic_gather %add3A_477[%gather3A_530] in [0] : vector<16xf32>, vector<16xi32> -> vector<16xf32>
    %add3A_532 = arith.addf %add3A_477, %gather3A_531 : vector<16xf32>
    %xor3A_533 = arith.constant 1 : i32
    %xor3A_534 = vector.broadcast %xor3A_533 : i32 to vector<16xi32>
    %xor3A_535 = arith.xori %iota3A, %xor3A_534 : vector<16xi32>
    %broadcast_in_dim3A_536 = vector.shape_cast %xor3A_535 : vector<16xi32> to vector<16x1xi32>
    %gather3A_537 = vector.shape_cast %broadcast_in_dim3A_536 : vector<16x1xi32> to vector<16xi32>
    %gather3A_538 = tpu.dynamic_gather %add3A_422[%gather3A_537] in [0] : vector<16xf32>, vector<16xi32> -> vector<16xf32>
    %add3A_539 = arith.addf %add3A_422, %gather3A_538 : vector<16xf32>
    %select_n3A_540 = arith.select %ne3A_483, %add3A_532, %add3A_539 : vector<16xi1>, vector<16xf32>
    %and3A_541 = arith.constant 2 : i32
    %and3A_542 = vector.broadcast %and3A_541 : i32 to vector<16xi32>
    %and3A_543 = arith.andi %iota3A, %and3A_542 : vector<16xi32>
    %ne3A_544 = arith.constant 0 : i32
    %ne3A_545 = vector.broadcast %ne3A_544 : i32 to vector<16xi32>
    %ne3A_546 = arith.cmpi ne, %and3A_543, %ne3A_545 : vector<16xi32>
    %xor3A_547 = arith.constant 2 : i32
    %xor3A_548 = vector.broadcast %xor3A_547 : i32 to vector<16xi32>
    %xor3A_549 = arith.xori %iota3A, %xor3A_548 : vector<16xi32>
    %broadcast_in_dim3A_550 = vector.shape_cast %xor3A_549 : vector<16xi32> to vector<16x1xi32>
    %gather3A_551 = vector.shape_cast %broadcast_in_dim3A_550 : vector<16x1xi32> to vector<16xi32>
    %gather3A_552 = tpu.dynamic_gather %select_n3A_510[%gather3A_551] in [0] : vector<16xf32>, vector<16xi32> -> vector<16xf32>
    %add3A_553 = arith.addf %select_n3A_510, %gather3A_552 : vector<16xf32>
    %xor3A_554 = arith.constant 2 : i32
    %xor3A_555 = vector.broadcast %xor3A_554 : i32 to vector<16xi32>
    %xor3A_556 = arith.xori %iota3A, %xor3A_555 : vector<16xi32>
    %broadcast_in_dim3A_557 = vector.shape_cast %xor3A_556 : vector<16xi32> to vector<16x1xi32>
    %gather3A_558 = vector.shape_cast %broadcast_in_dim3A_557 : vector<16x1xi32> to vector<16xi32>
    %gather3A_559 = tpu.dynamic_gather %select_n3A_495[%gather3A_558] in [0] : vector<16xf32>, vector<16xi32> -> vector<16xf32>
    %add3A_560 = arith.addf %select_n3A_495, %gather3A_559 : vector<16xf32>
    %select_n3A_561 = arith.select %ne3A_546, %add3A_553, %add3A_560 : vector<16xi1>, vector<16xf32>
    %xor3A_562 = arith.constant 2 : i32
    %xor3A_563 = vector.broadcast %xor3A_562 : i32 to vector<16xi32>
    %xor3A_564 = arith.xori %iota3A, %xor3A_563 : vector<16xi32>
    %broadcast_in_dim3A_565 = vector.shape_cast %xor3A_564 : vector<16xi32> to vector<16x1xi32>
    %gather3A_566 = vector.shape_cast %broadcast_in_dim3A_565 : vector<16x1xi32> to vector<16xi32>
    %gather3A_567 = tpu.dynamic_gather %select_n3A_540[%gather3A_566] in [0] : vector<16xf32>, vector<16xi32> -> vector<16xf32>
    %add3A_568 = arith.addf %select_n3A_540, %gather3A_567 : vector<16xf32>
    %xor3A_569 = arith.constant 2 : i32
    %xor3A_570 = vector.broadcast %xor3A_569 : i32 to vector<16xi32>
    %xor3A_571 = arith.xori %iota3A, %xor3A_570 : vector<16xi32>
    %broadcast_in_dim3A_572 = vector.shape_cast %xor3A_571 : vector<16xi32> to vector<16x1xi32>
    %gather3A_573 = vector.shape_cast %broadcast_in_dim3A_572 : vector<16x1xi32> to vector<16xi32>
    %gather3A_574 = tpu.dynamic_gather %select_n3A_525[%gather3A_573] in [0] : vector<16xf32>, vector<16xi32> -> vector<16xf32>
    %add3A_575 = arith.addf %select_n3A_525, %gather3A_574 : vector<16xf32>
    %select_n3A_576 = arith.select %ne3A_546, %add3A_568, %add3A_575 : vector<16xi1>, vector<16xf32>
    %and3A_577 = arith.constant 4 : i32
    %and3A_578 = vector.broadcast %and3A_577 : i32 to vector<16xi32>
    %and3A_579 = arith.andi %iota3A, %and3A_578 : vector<16xi32>
    %ne3A_580 = arith.constant 0 : i32
    %ne3A_581 = vector.broadcast %ne3A_580 : i32 to vector<16xi32>
    %ne3A_582 = arith.cmpi ne, %and3A_579, %ne3A_581 : vector<16xi32>
    %xor3A_583 = arith.constant 4 : i32
    %xor3A_584 = vector.broadcast %xor3A_583 : i32 to vector<16xi32>
    %xor3A_585 = arith.xori %iota3A, %xor3A_584 : vector<16xi32>
    %broadcast_in_dim3A_586 = vector.shape_cast %xor3A_585 : vector<16xi32> to vector<16x1xi32>
    %gather3A_587 = vector.shape_cast %broadcast_in_dim3A_586 : vector<16x1xi32> to vector<16xi32>
    %gather3A_588 = tpu.dynamic_gather %select_n3A_576[%gather3A_587] in [0] : vector<16xf32>, vector<16xi32> -> vector<16xf32>
    %add3A_589 = arith.addf %select_n3A_576, %gather3A_588 : vector<16xf32>
    %xor3A_590 = arith.constant 4 : i32
    %xor3A_591 = vector.broadcast %xor3A_590 : i32 to vector<16xi32>
    %xor3A_592 = arith.xori %iota3A, %xor3A_591 : vector<16xi32>
    %broadcast_in_dim3A_593 = vector.shape_cast %xor3A_592 : vector<16xi32> to vector<16x1xi32>
    %gather3A_594 = vector.shape_cast %broadcast_in_dim3A_593 : vector<16x1xi32> to vector<16xi32>
    %gather3A_595 = tpu.dynamic_gather %select_n3A_561[%gather3A_594] in [0] : vector<16xf32>, vector<16xi32> -> vector<16xf32>
    %add3A_596 = arith.addf %select_n3A_561, %gather3A_595 : vector<16xf32>
    %select_n3A_597 = arith.select %ne3A_582, %add3A_589, %add3A_596 : vector<16xi1>, vector<16xf32>
    %xor3A_598 = arith.constant 8 : i32
    %xor3A_599 = vector.broadcast %xor3A_598 : i32 to vector<16xi32>
    %xor3A_600 = arith.xori %iota3A, %xor3A_599 : vector<16xi32>
    %broadcast_in_dim3A_601 = vector.shape_cast %xor3A_600 : vector<16xi32> to vector<16x1xi32>
    %gather3A_602 = vector.shape_cast %broadcast_in_dim3A_601 : vector<16x1xi32> to vector<16xi32>
    %gather3A_603 = tpu.dynamic_gather %select_n3A_597[%gather3A_602] in [0] : vector<16xf32>, vector<16xi32> -> vector<16xf32>
    %add3A_604 = arith.addf %select_n3A_597, %gather3A_603 : vector<16xf32>
    %bitcast_convert_type3A = tpu.bitcast %add3A_604 : vector<16xf32> -> vector<16xi32>
    %shift_right_logical3A = arith.constant 23 : i32
    %shift_right_logical3A_605 = vector.broadcast %shift_right_logical3A : i32 to vector<16xi32>
    %shift_right_logical3A_606 = arith.shrui %bitcast_convert_type3A, %shift_right_logical3A_605 : vector<16xi32>
    %sub3A_607 = arith.constant 127 : i32
    %sub3A_608 = vector.broadcast %sub3A_607 : i32 to vector<16xi32>
    %sub3A_609 = arith.subi %shift_right_logical3A_606, %sub3A_608 : vector<16xi32>
    %and3A_610 = arith.constant 8388607 : i32
    %and3A_611 = vector.broadcast %and3A_610 : i32 to vector<16xi32>
    %and3A_612 = arith.andi %bitcast_convert_type3A, %and3A_611 : vector<16xi32>
    %or3A = arith.constant 1065353216 : i32
    %or3A_613 = vector.broadcast %or3A : i32 to vector<16xi32>
    %or3A_614 = arith.ori %and3A_612, %or3A_613 : vector<16xi32>
    %bitcast_convert_type3A_615 = tpu.bitcast %or3A_614 : vector<16xi32> -> vector<16xf32>
    %broadcast_in_dim3A_616 = arith.constant -0.0172080602 : f32
    %broadcast_in_dim3A_617 = vector.broadcast %broadcast_in_dim3A_616 : f32 to vector<16xf32>
    %mul3A_618 = arith.mulf %broadcast_in_dim3A_617, %bitcast_convert_type3A_615 : vector<16xf32>
    %add3A_619 = arith.constant 0.184975177 : f32
    %add3A_620 = vector.broadcast %add3A_619 : f32 to vector<16xf32>
    %add3A_621 = arith.addf %mul3A_618, %add3A_620 : vector<16xf32>
    %mul3A_622 = arith.mulf %add3A_621, %bitcast_convert_type3A_615 : vector<16xf32>
    %add3A_623 = arith.constant -0.855537653 : f32
    %add3A_624 = vector.broadcast %add3A_623 : f32 to vector<16xf32>
    %add3A_625 = arith.addf %mul3A_622, %add3A_624 : vector<16xf32>
    %mul3A_626 = arith.mulf %add3A_625, %bitcast_convert_type3A_615 : vector<16xf32>
    %add3A_627 = arith.constant 2.23115063 : f32
    %add3A_628 = vector.broadcast %add3A_627 : f32 to vector<16xf32>
    %add3A_629 = arith.addf %mul3A_626, %add3A_628 : vector<16xf32>
    %mul3A_630 = arith.mulf %add3A_629, %bitcast_convert_type3A_615 : vector<16xf32>
    %add3A_631 = arith.constant -3.64883447 : f32
    %add3A_632 = vector.broadcast %add3A_631 : f32 to vector<16xf32>
    %add3A_633 = arith.addf %mul3A_630, %add3A_632 : vector<16xf32>
    %mul3A_634 = arith.mulf %add3A_633, %bitcast_convert_type3A_615 : vector<16xf32>
    %add3A_635 = arith.constant 4.2045331 : f32
    %add3A_636 = vector.broadcast %add3A_635 : f32 to vector<16xf32>
    %add3A_637 = arith.addf %mul3A_634, %add3A_636 : vector<16xf32>
    %mul3A_638 = arith.mulf %add3A_637, %bitcast_convert_type3A_615 : vector<16xf32>
    %add3A_639 = arith.constant -2.09907484 : f32
    %add3A_640 = vector.broadcast %add3A_639 : f32 to vector<16xf32>
    %add3A_641 = arith.addf %mul3A_638, %add3A_640 : vector<16xf32>
    %convert_element_type3A = arith.sitofp %sub3A_609 : vector<16xi32> to vector<16xf32>
    %mul3A_642 = arith.constant 0.693147182 : f32
    %mul3A_643 = vector.broadcast %mul3A_642 : f32 to vector<16xf32>
    %mul3A_644 = arith.mulf %convert_element_type3A, %mul3A_643 : vector<16xf32>
    %add3A_645 = arith.addf %mul3A_644, %add3A_641 : vector<16xf32>
    %lt3A_646 = arith.constant 8 : i32
    %lt3A_647 = vector.broadcast %lt3A_646 : i32 to vector<16xi32>
    %lt3A_648 = arith.cmpi slt, %iota3A, %lt3A_647 : vector<16xi32>
    %jit3A_649 = arith.constant 0.000000e+00 : f32
    %broadcast_in_dim3A_650 = vector.broadcast %jit3A_649 : f32 to vector<16xf32>
    %select_n3A_651 = arith.select %lt3A_648, %add3A_645, %broadcast_in_dim3A_650 : vector<16xi1>, vector<16xf32>
    %swap3A = arith.constant 0 : index
    %swap3A_652 = tpu.vector_load %arg8[%swap3A] {strides = array<i32>} : memref<16xf32, #tpu.memory_space<vmem>>, vector<16xf32>,
    %swap3A_653 = vector.shape_cast %swap3A_652 : vector<16xf32> to vector<16xf32>
    %swap3A_654 = vector.shape_cast %select_n3A_651 : vector<16xf32> to vector<16xf32>
    tpu.vector_store %arg8[%swap3A], %swap3A_654 {strides = array<i32>} : memref<16xf32, #tpu.memory_space<vmem>>, vector<16xf32>,
    "tpu.region"() ({
      %run_scoped3A = tpu.sem_alloc : memref<!tpu.dma_semaphore, #tpu.memory_space<semaphore_mem>>
      %dma_start3A_659 = arith.constant 0 : i32
      %dma_start3A_660 = tpu.memref_slice %arg5[%arg1, %dma_start3A_659] : memref<16x16xf32, #tpu.memory_space<hbm>> -> memref<1x16xf32, #tpu.memory_space<hbm>>
      %dma_start3A_661 = tpu.memref_squeeze %dma_start3A_660 : memref<1x16xf32, #tpu.memory_space<hbm>> -> memref<16xf32, #tpu.memory_space<hbm>>
      %dma_start3A_662 = arith.constant 0 : i32
      %dma_start3A_663 = tpu.memref_slice %arg5[%arg1, %dma_start3A_662] : memref<16x16xf32, #tpu.memory_space<hbm>> -> memref<1x16xf32, #tpu.memory_space<hbm>>
      %dma_start3A_664 = tpu.memref_squeeze %dma_start3A_663 : memref<1x16xf32, #tpu.memory_space<hbm>> -> memref<16xf32, #tpu.memory_space<hbm>>
      tpu.enqueue_dma source(%arg8 : memref<16xf32, #tpu.memory_space<vmem>>) target(%dma_start3A_664 : memref<16xf32, #tpu.memory_space<hbm>>) target_semaphore(%run_scoped3A : memref<!tpu.dma_semaphore, #tpu.memory_space<semaphore_mem>>)
      %dma_wait3A_665 = arith.constant 0 : i32
      %dma_wait3A_666 = tpu.memref_slice %arg5[%arg1, %dma_wait3A_665] : memref<16x16xf32, #tpu.memory_space<hbm>> -> memref<1x16xf32, #tpu.memory_space<hbm>>
      %dma_wait3A_667 = tpu.memref_squeeze %dma_wait3A_666 : memref<1x16xf32, #tpu.memory_space<hbm>> -> memref<16xf32, #tpu.memory_space<hbm>>
      %dma_wait3A_668 = arith.constant 0 : i32
      %dma_wait3A_669 = tpu.memref_slice %arg5[%arg1, %dma_wait3A_668] : memref<16x16xf32, #tpu.memory_space<hbm>> -> memref<1x16xf32, #tpu.memory_space<hbm>>
      %dma_wait3A_670 = tpu.memref_squeeze %dma_wait3A_669 : memref<1x16xf32, #tpu.memory_space<hbm>> -> memref<16xf32, #tpu.memory_space<hbm>>
      tpu.wait_dma2 semaphore(%run_scoped3A : memref<!tpu.dma_semaphore, #tpu.memory_space<semaphore_mem>>) src(%arg8 : memref<16xf32, #tpu.memory_space<vmem>>) dst(%dma_wait3A_670 : memref<16xf32, #tpu.memory_space<hbm>>)
      tpu.yield
    }) : () -> ()
    %dma_wait3A_655 = arith.constant 0 : i32
    %dma_wait3A_656 = tpu.memref_slice %arg4[%mul3A_35, %dma_wait3A_655] : memref<128x128xf32, #tpu.memory_space<hbm>> -> memref<8x128xf32, #tpu.memory_space<hbm>>
    %dma_wait3A_657 = arith.constant 0 : i32
    %dma_wait3A_658 = tpu.memref_slice %arg4[%mul3A_35, %dma_wait3A_657] : memref<128x128xf32, #tpu.memory_space<hbm>> -> memref<8x128xf32, #tpu.memory_space<hbm>>
    tpu.wait_dma2 semaphore(%arg10 : memref<!tpu.dma_semaphore, #tpu.memory_space<semaphore_mem>>) src(%arg7 : memref<8x128xf32, #tpu.memory_space<vmem>>) dst(%dma_wait3A_658 : memref<8x128xf32, #tpu.memory_space<hbm>>)
    return
  }
}

module attributes {stable_mosaic.version = 14 : i64} {
  func.func @_fin_body(%arg0: memref<16x16xf32, #tpu.memory_space<vmem>>, %arg1: memref<128x128xf32, #tpu.memory_space<vmem>>, %arg2: memref<128x1xi32, #tpu.memory_space<vmem>>, %arg3: memref<1x1xf32, #tpu.memory_space<smem>>) attributes {dimension_semantics = [], scalar_prefetch = 0 : i64, scratch_operands = 0 : i64, tpu.core_type = #tpu.core_type<tc>} {
    %get3A = arith.constant 0 : index
    %get3A_0 = arith.constant 0 : index
    %get3A_1 = vector.load %arg0[%get3A, %get3A_0] : memref<16x16xf32, #tpu.memory_space<vmem>>, vector<16x16xf32>
    %reduce_sum3A = vector.shape_cast %get3A_1 : vector<16x16xf32> to vector<1x16x16xf32>
    %reduce_sum3A_2 = arith.constant dense<0.000000e+00> : vector<1xf32>
    %reduce_sum3A_3 = vector.multi_reduction <add>, %reduce_sum3A, %reduce_sum3A_2 [1, 2] : vector<1x16x16xf32> to vector<1xf32>
    %reduce_sum3A_4 = vector.shape_cast %reduce_sum3A_3 : vector<1xf32> to vector<1x1x1xf32>
    %reduce_sum3A_5 = vector.extract %reduce_sum3A_4[0, 0, 0] : f32 from vector<1x1x1xf32>
    %get3A_6 = arith.constant 0 : index
    %get3A_7 = arith.constant 0 : index
    %get3A_8 = vector.load %arg1[%get3A_6, %get3A_7] : memref<128x128xf32, #tpu.memory_space<vmem>>, vector<128x128xf32>
    %iota3A = tpu.iota {dimensions = array<i32: 1>} : vector<128x128xi32>
    %get3A_9 = arith.constant 0 : index
    %get3A_10 = arith.constant 0 : index
    %get3A_11 = vector.load %arg2[%get3A_9, %get3A_10] : memref<128x1xi32, #tpu.memory_space<vmem>>, vector<128x1xi32>
    %eq3A = vector.broadcast %get3A_11 : vector<128x1xi32> to vector<128x128xi32>
    %eq3A_12 = arith.cmpi eq, %iota3A, %eq3A : vector<128x128xi32>
    %jit3A = arith.constant 0.000000e+00 : f32
    %broadcast_in_dim3A = vector.broadcast %jit3A : f32 to vector<128x128xf32>
    %select_n3A = arith.select %eq3A_12, %get3A_8, %broadcast_in_dim3A : vector<128x128xi1>, vector<128x128xf32>
    %reduce_sum3A_13 = vector.shape_cast %select_n3A : vector<128x128xf32> to vector<1x128x128xf32>
    %reduce_sum3A_14 = arith.constant dense<0.000000e+00> : vector<1xf32>
    %reduce_sum3A_15 = vector.multi_reduction <add>, %reduce_sum3A_13, %reduce_sum3A_14 [1, 2] : vector<1x128x128xf32> to vector<1xf32>
    %reduce_sum3A_16 = vector.shape_cast %reduce_sum3A_15 : vector<1xf32> to vector<1x1x1xf32>
    %reduce_sum3A_17 = vector.extract %reduce_sum3A_16[0, 0, 0] : f32 from vector<1x1x1xf32>
    %sub3A = arith.subf %reduce_sum3A_5, %reduce_sum3A_17 : f32
    %mul3A = arith.constant 7.812500e-03 : f32
    %mul3A_18 = arith.mulf %sub3A, %mul3A : f32
    %swap3A = arith.constant 0 : index
    %swap3A_19 = arith.constant 0 : index
    %swap3A_20 = memref.load %arg3[%swap3A, %swap3A_19] : memref<1x1xf32, #tpu.memory_space<smem>>
    memref.store %mul3A_18, %arg3[%swap3A, %swap3A_19] : memref<1x1xf32, #tpu.memory_space<smem>>
    return
  }
}

</mosaic_0001>

<sc_bundles>
// kernel: kernel.4.cloned.1.call-start
scs
__scs_entry_jumppad:
0x0: {  	(pc) =	sbr.rel $0x88, $3  }
0x1: {  	(tag) =	ssettag $0x0;
	lr =	simm.s32 $0x1  }
0x2: {  	[smem:$0x3F9E] =	sst lr;
	_ =	strace $0xD0000000  }
0x3: {  	_ = 	snop  }
0x4: {  	_ = 	snop  }
0x5: {  	_ = 	snop  }
0x6: {  	_ = 	snop  }
0x7: {  	_ = 	snop  }
__scs_overlays_trampoline_lowered:
0x8: {  	[smem:$0x3FAD] =	sst s0  }
0x9: {  	[smem:$0x3FAE] =	sst s1  }
0xa: {  	[smem:$0x3FAF] =	sst s2  }
0xb: {  	[smem:$0x3FB0] =	sst s3  }
0xc: {  	[smem:$0x3FB1] =	sst s4  }
0xd: {  	[smem:$0x3FB2] =	sst s5  }
0xe: {  	[smem:$0x3FB3] =	sst s6  }
0xf: {  	[smem:$0x3FB4] =	sst s7  }
0x10: {  	[smem:$0x3FB5] =	sst s8  }
0x11: {  	[smem:$0x3FB6] =	sst s9;
	s0 =	simm.s32 @!p0 $0x0  }
0x12: {  	s1 =	sld [smem:$0x3F9C];
	s0 =	simm.s32 @p0 $0x1  }
0x13: {  	[smem:$0x3FB7] =	sst s0;
	s0 =	simm.s32 @!p1 $0x0  }
0x14: {  	s2 =	sld [smem:$0x3F9B];
	s0 =	simm.s32 @p1 $0x1  }
0x15: {  	[smem:$0x3FB8] =	sst s0;
	s0 =	simm.s32 @!p2 $0x0  }
0x16: {  	s3 =	sld [smem:$0x3FDB];
	s0 =	simm.s32 @p2 $0x1  }
0x17: {  	s4 =	simm.s32 $0x1BF5;
	[smem:$0x3FBA] =	sst s0  }
0x18: {  	s0 =	sld [smem:$0x3F9D];
	_ =	swait.ge [sflag:s4], $0x0  }
0x19: {  	s7 =	sld [smem:$0x3F9E]  }
0x1a: {  	s8 =	sadd.s32 $0xFFFFE003, lr  }
0x1b: {  	s9 =	sadd.s32 $0xFFFFFEF7, lr;
	s5 =	simm.s32 $0xFFFFFFFF;
	p2 =	slt.u32 s8, $0xFFFFF086  }
0x1c: {  	p1 =	slt.u32 s9, $0xF7A;
	s5 =	simm.s32 @!p2 $0x0  }
0x1d: {  	s5 =	simm.s32 @p1 $0x1;
	p0 =	seq.s32 s7, s2  }
0x1e: {  	s7 =	smul.u32 @!p0 $0xF7A, s2;
	p2 =	seq.s32 @!p0 s5, $0x0  }
0x1f: {  	s9 =	smul.u32 $0xF7A, s1;
	s8 =	simm.s32 @!p0 $0x1BF5;
	p2 =	por !p2, p0  }
0x20: {  	[sflag:s8] =	ssyncset.s32 @!p0 $0xFFFFF086;
	s6 =	sadd.s32 @!p0 s3, s7;
	s7 =	simm.s32 @!p0 $0x108  }
0x21: {  	s3 =	sadd.s32 s3, s9;
	s6 =	sadd.s32 @!p0 $0x88, s6;
	s7 =	simm.s32 @p2 $0x1082  }
0x22: {  	[simem:s7], [sflag:s8] =	dma.local @!p0 [hbm:s6], $0xF7A  }
0x23: {  	s9 =	sor.u32 $0xD0000000, s2;
	s6 =	simm.s32 $0x108;
	_ =	swait.ge @!p0 [sflag:s8], $0x0  }
0x24: {  	s3 =	sadd.s32 $0x88, s3;
	s6 =	simm.s32 @!p1 $0x1082;
	[sflag:s4] =	ssyncset.s32 $0xFFFFF086  }
0x25: {  	[simem:s6], [sflag:s4] =	dma.local [hbm:s3], $0xF7A  }
0x26: {  	[smem:$0x3F9E] =	sst s1;
	(tag) =	ssettag s2;
	_ =	strace s9  }
0x27: {  	s1 =	sld [smem:$0x3FAE]  }
0x28: {  	s2 =	sld [smem:$0x3FAF]  }
0x29: {  	s4 =	sld [smem:$0x3FB1]  }
0x2a: {  	p0 =	seq.s32 s5, $0x0;
	s5 =	sld [smem:$0x3FB2]  }
0x2b: {  	s6 =	sld [smem:$0x3FB3]  }
0x2c: {  	s7 =	sld [smem:$0x3FB4]  }
0x2d: {  	s3 =	simm.s32 $0x108;
	s8 =	sld [smem:$0x3FB5]  }
0x2e: {  	s3 =	simm.s32 @!p0 $0x1082;
	s9 =	sld [smem:$0x3FB6]  }
0x2f: {  	lr =	sadd.s32 s0, s3;
	s0 =	sld [smem:$0x3FAD]  }
0x30: {  	s3 =	sld [smem:$0x3FB0]  }
0x31: {  	[smem:$0x3FB9] =	sst s10  }
0x32: {  	s10 =	sld [smem:$0x3FB7];
	_ =	sdelay $0x3  }
0x33: {  	p0 =	seq.s32 s10, $0x1;
	s10 =	sld [smem:$0x3FB9];
	_ =	sdelay $0x3  }
0x34: {  	[smem:$0x3FB9] =	sst s10  }
0x35: {  	s10 =	sld [smem:$0x3FB8];
	_ =	sdelay $0x3  }
0x36: {  	p1 =	seq.s32 s10, $0x1;
	s10 =	sld [smem:$0x3FB9];
	_ =	sdelay $0x3  }
0x37: {  	[smem:$0x3FB9] =	sst s10  }
0x38: {  	s10 =	sld [smem:$0x3FBA]  }
0x39: {  	_ = 	snop;
	(pc) =	sbr.ind lr, $3  }
0x3a: {  	_ = 	snop  }
0x3b: {  	_ = 	snop  }
0x3c: {  	p2 =	seq.s32 s10, $0x1;
	s10 =	sld [smem:$0x3FB9]  }
0x3d: {  	_ =	shalt  }
0x3e: {  	_ =	shalt  }
0x3f: {  	_ =	shalt  }
0x40: {  	_ =	shalt  }
0x41: {  	_ =	shalt  }
0x42: {  	_ =	shalt  }
0x43: {  	_ =	shalt  }
0x44: {  	_ =	shalt  }
0x45: {  	_ =	shalt  }
0x46: {  	_ =	shalt  }
0x47: {  	_ =	shalt  }
0x48: {  	_ =	shalt  }
0x49: {  	_ =	shalt  }
0x4a: {  	_ =	shalt  }
0x4b: {  	_ =	shalt  }
0x4c: {  	_ =	shalt  }
0x4d: {  	_ =	shalt  }
0x4e: {  	_ =	shalt  }
0x4f: {  	_ =	shalt  }
0x50: {  	_ =	shalt  }
0x51: {  	_ =	shalt  }
0x52: {  	_ =	shalt  }
0x53: {  	_ =	shalt  }
0x54: {  	_ =	shalt  }
0x55: {  	_ =	shalt  }
0x56: {  	_ =	shalt  }
0x57: {  	_ =	shalt  }
0x58: {  	_ =	shalt  }
0x59: {  	_ =	shalt  }
0x5a: {  	_ =	shalt  }
0x5b: {  	_ =	shalt  }
0x5c: {  	_ =	shalt  }
0x5d: {  	_ =	shalt  }
0x5e: {  	_ =	shalt  }
0x5f: {  	_ =	shalt  }
0x60: {  	_ =	shalt  }
0x61: {  	_ =	shalt  }
0x62: {  	_ =	shalt  }
0x63: {  	_ =	shalt  }
0x64: {  	_ =	shalt  }
0x65: {  	_ =	shalt  }
0x66: {  	_ =	shalt  }
0x67: {  	_ =	shalt  }
0x68: {  	_ =	shalt  }
0x69: {  	_ =	shalt  }
0x6a: {  	_ =	shalt  }
0x6b: {  	_ =	shalt  }
0x6c: {  	_ =	shalt  }
0x6d: {  	_ =	shalt  }
0x6e: {  	_ =	shalt  }
0x6f: {  	_ =	shalt  }
0x70: {  	_ =	shalt  }
0x71: {  	_ =	shalt  }
0x72: {  	_ =	shalt  }
0x73: {  	_ =	shalt  }
0x74: {  	_ =	shalt  }
0x75: {  	_ =	shalt  }
0x76: {  	_ =	shalt  }
0x77: {  	_ =	shalt  }
0x78: {  	_ =	shalt  }
0x79: {  	_ =	shalt  }
0x7a: {  	_ =	shalt  }
0x7b: {  	_ =	shalt  }
0x7c: {  	_ =	shalt  }
0x7d: {  	_ =	shalt  }
0x7e: {  	_ =	shalt  }
0x7f: {  	_ =	shalt  }
0x80: {  	_ =	shalt  }
0x81: {  	_ =	shalt  }
0x82: {  	_ =	shalt  }
0x83: {  	_ =	shalt  }
0x84: {  	_ =	shalt  }
0x85: {  	_ =	shalt  }
0x86: {  	_ =	shalt  }
0x87: {  	_ =	shalt  }
.Lfunc_end0:
.L_simem_size_0:
called_computation_lowered:
.L_overlay_start_0:
0x88: {  	s0 =	sld [smem:$0x3FD9]  }
0x89: {  	s1 =	sld [smem:$0x3FFE];
	_ =	sdelay $0x3  }
0x8a: {  	s0 =	sadd.s32 s1, s0  }
0x8b: {  	[smem:$0x3FC5] =	sst s0  }
0x8c: {  	_ = 	snop  }
0x8d: {  	s0 =	sld [smem:$0x3FD0];
	_ =	sdelay $0x1  }
0x8e: {  	s13 =	sld [smem:$0x3FC9]  }
0x8f: {  	s3 =	simm.s32 $0xA;
	s4 =	simm.s32 $0x10;
	s2 =	sld [smem:$0x3FC7]  }
0x90: {  	[smem:s4], [sflag:s3] =	dma.local [hbm:s0], $0x1  }
0x91: {  	_ =	swait.eq [sflag:s3], $0x1  }
0x92: {  	[sflag:s3] =	ssyncset.done $0x0  }
0x93: {  	[sflag:s3] =	ssyncadd.s32 $0xFFFFFFFF  }
0x94: {  	s14 =	sld [smem:$0x10];
	(tm) =	ssettm $0x1  }
0x95: {  	s15 =	sld [smem:$0x3FFB];
	_ =	sdelay $0x3  }
0x96: {  	_ =	strace s15  }
0x97: {  	s3 =	sld [smem:$0x3FFC];
	_ =	sdelay $0x3  }
0x98: {  	_ =	strace s3  }
0x99: {  	s3 =	sld [smem:$0x3FFD];
	_ =	sdelay $0x3  }
0x9a: {  	_ =	strace s3  }
0x9b: {  	_ =	strace $0x8FFFFFFF  }
0x9c: {  	s16 =	sld [smem:$0x3FDB];
	_ =	sdelay $0x1  }
0x9d: {  	s17 =	simm.s32 $_scs_section_size  }
0x9e: {  	s5 =	simm.s32 $_size__tile_overlayer_lowered;
	s6 =	simm.s32 $_tile_overlayer_lowered  }
0x9f: {  	s20 =	simm.s32 $0x1BFF;
	s19 =	sshll.u32 s6, $0x1;
	s3 =	sadd.s32 s17, s16  }
0xa0: {  	s7 =	simm.s32 $0x0;
	s18 =	sshll.u32 s5, $0x1;
	s5 =	sadd.s32 s19, s3  }
0xa1: {  	[timem:s7], [sflag:s20] =	dma.local [hbm:s5], s18  }
0xa2: {  	_ =	swait.ge [sflag:s20], s18  }
0xa3: {  	s4 =	ssub.s32 $0x0, s18;
	[sflag:s20] =	ssyncset.done $0x0  }
0xa4: {  	[sflag:s20] =	ssyncadd.s32 s4;
	_ =	sdelay $0x1  }
0xa5: {  	s21 =	simm.s32 $0x1B8B  }
0xa6: {  	_ =	swait.ge [sflag:s21], $0x1  }
0xa7: {  	[sflag:s21] =	ssyncset.done $0x0  }
0xa8: {  	s23 =	simm.s32 $0x1B8E;
	s22 =	sld [smem:$0x3FFE];
	[sflag:s21] =	ssyncadd.s32 $0xFFFFFFFF  }
0xa9: {  	s24 =	simm.s32 $execute0_lowered;
	[smem:$0x3FD2] =	sst s23  }
0xaa: {  	s5 =	sshll.u32 s24, $0x1;
	_ =	strace $0x80000046;
	[dreg:$0x1] =	wrdreg $0xFFFFFFFF  }
0xab: {  	s25 =	simm.s32 $_size_execute0_lowered;
	s3 =	sadd.s32 s3, s5;
	[dreg:$0x0] =	wrdreg $0x0  }
0xac: {  	s5 =	sshll.u32 s25, $0x1;
	[dreg:$0x2] =	wrdreg s3  }
0xad: {  	[dreg:$0x3] =	wrdreg s5  }
0xae: {  	[dreg:$0x4] =	wrdreg $0xC0  }
0xaf: {  	_ =	task [dreg:s7], $0x5FFFF  }
0xb0: {  	[dreg:$0x1] =	wrdreg $0xFFFFFFFF  }
0xb1: {  	[dreg:$0x0] =	wrdreg $0x60  }
0xb2: {  	[dreg:$0x2] =	wrdreg s13  }
0xb3: {  	[dreg:$0x3] =	wrdreg s2  }
0xb4: {  	[dreg:$0x4] =	wrdreg s14  }
0xb5: {  	[dreg:$0x5] =	wrdreg s22  }
0xb6: {  	[dreg:$0x6] =	wrdreg $0x9  }
0xb7: {  	_ =	task.clear_ibuf [dreg:s7], $0x7FFFF;
	_ =	strace $0x90000046  }
0xb8: {  	s26 =	simm.s32 $0x9;
	_ =	strace $0x80000048  }
0xb9: {  	_ =	swait.ge [sflag:s26], $0x1  }
0xba: {  	[sflag:s26] =	ssyncadd.s32 $0xFFFFFFFF  }
0xbb: {  	_ =	strace $0x90000048  }
0xbc: {  	_ =	sfence  }
0xbd: {  	s28 =	sld [smem:$0x0];
	_ =	sdelay $0x1  }
0xbe: {  	s29 =	srdreg.scid  }
0xbf: {  	s30 =	sshll.u32 s29, $0xD;
	s31 =	sshrl.u32 s29, $0x2  }
0xc0: {  	s1 =	sand.u32 $0x1, s29;
	s2 =	sand.u32 $0x4000, s30;
	s0 =	sadd.s32 s31, s28  }
0xc1: {  	s1 =	sor.u32 s2, s1;
	s0 =	sshll.u32 s0, $0x11  }
0xc2: {  	s0 =	sor.u32 s0, s1  }
0xc3: {  	s0 =	sadd.s32 $0x8F2B, s0  }
0xc4: {  	[sflag:s0] =	ssyncadd.remote.s32 $0x1  }
0xc5: {  	_ =	sfence.sel $0xFFFF  }
0xc6: {  	[dreg:$0x0] =	wrdreg $0xFFFFFFFF;
	(pc) =	sbr.abs _section_cstart, $3  }
0xc7: {  	[dreg:$0x1] =	wrdreg $0xFFFFFFFF  }
0xc8: {  	_ =	task.clear_ibuf [dreg:s7], $0x2FFFF;
	_ =	strace $0x9FFFFFFF  }
0xc9: {  	(tm) =	ssettm $0x7FFFFFFF  }
tec
execute0_lowered:
.L_overlay_start_1:
0x0: {  	(tag) =	ssettag $0x1  }
0x1: {  	s4 =	rddreg [dreg:$0x0]  }
0x2: {  	s5 =	rddreg [dreg:$0x1]  }
0x3: {  	s6 =	rddreg [dreg:$0x2]  }
0x4: {  	s3 =	rddreg [dreg:$0x3]  }
0x5: {  	s0 =	rddreg [dreg:$0x4];
	s1 =	stileid.u32  }
0x6: {  	s2 =	simm.s32 $0x0;
	s7 =	sshll.u32 s1, $0x3;
	s8 =	sand.u32 $0x1, s1  }
0x7: {  	[smem:$0x7FF] =	sst s2;
	s7 =	sand.u32 $0x70, s7;
	s4 =	sadd.s32 s4, s8  }
0x8: {  	s23 =	simm.s32 $0x3;
	_ =	strace $0x80000047;
	s4 =	sadd.s32 s7, s4  }
0x9: {  	[tilespmem:s2], [sflag:$0x3] =	stream.linear.gather [hbm4b:s4+s2], $0x8, $0x38;
	[tilespmem:$0x500] =	vst v63  }
0xa: {  	_ =	swait.ge [sflag:s23], $0x8  }
0xb: {  	s24 =	simm.s32 $0x8;
	[sflag:s23] =	ssyncset.done $0x0  }
0xc: {  	s25 =	simm.s32 $0x80;
	s26 =	simm.s32 $0x1;
	[sflag:s23] =	ssyncadd.s32 $0xFFFFFFF8  }
0xd: {  	[tilespmem:s25], [sflag:$0x1] =	stream.indirect.gather [hbm4b:s5+s24], $0x80, s2, s24, $0xb8;
	[tilespmem:$0x500] =	vst v63  }
0xe: {  	_ =	swait.ge [sflag:s26], $0x400  }
0xf: {  	s28 =	sshll.u32 s1, $0x7;
	[sflag:s26] =	ssyncset.done $0x0  }
0x10: {  	s6 =	sadd.s32 s6, s28;
	[sflag:s26] =	ssyncadd.s32 $0xFFFFFC00  }
0x11: {  	[hbm4b:s6+s2] =	stream.linear.scatter [tilespmem:s25], [sflag:$0x2], $0x400, $0x38;
	[tilespmem:$0x500] =	vst v63  }
0x12: {  	v0 =	vld [tilespmem:$0x80]  }
0x13: {  	v1 =	vld [tilespmem:$0x90]  }
0x14: {  	v2 =	vld [tilespmem:$0xA0]  }
0x15: {  	v3 =	vld [tilespmem:$0xB0]  }
0x16: {  	v4 =	vld [tilespmem:$0xC0]  }
0x17: {  	v5 =	vld [tilespmem:$0xD0];
	v0 =	vmul.f32 $1.442695020e+00, v0  }
0x18: {  	v6 =	vld [tilespmem:$0xE0];
	v1 =	vmul.f32 $1.442695020e+00, v1  }
0x19: {  	v45 =	vld [tilespmem:$0xF0];
	v44 =	vmul.f32 $1.442695020e+00, v2;
	(erf) = vpow2.f32 v0  }
0x1a: {  	v47 =	vld [tilespmem:$0x100];
	v46 =	vmul.f32 $1.442695020e+00, v3;
	(erf) = vpow2.f32 v1  }
0x1b: {  	v49 =	vld [tilespmem:$0x110];
	v48 =	vmul.f32 $1.442695020e+00, v4;
	(erf) = vpow2.f32 v44  }
0x1c: {  	v51 =	vld [tilespmem:$0x120];
	v50 =	vmul.f32 $1.442695020e+00, v5;
	(erf) = vpow2.f32 v46  }
0x1d: {  	v53 =	vld [tilespmem:$0x130];
	v52 =	vmul.f32 $1.442695020e+00, v6;
	(erf) = vpow2.f32 v48  }
0x1e: {  	v55 =	vld [tilespmem:$0x140];
	v54 =	vmul.f32 $1.442695020e+00, v45;
	(erf) = vpow2.f32 v50  }
0x1f: {  	v57 =	vld [tilespmem:$0x150];
	v56 =	vmul.f32 $1.442695020e+00, v47;
	(erf) = vpow2.f32 v52  }
0x20: {  	v59 =	vld [tilespmem:$0x160];
	v58 =	vmul.f32 $1.442695020e+00, v49;
	(erf) = vpow2.f32 v54  }
0x21: {  	v61 =	vld [tilespmem:$0x170];
	v60 =	vmul.f32 $1.442695020e+00, v51;
	(erf) = vpow2.f32 v56  }
0x22: {  	v63 =	vld [tilespmem:$0x180];
	v62 =	vmul.f32 $1.442695020e+00, v53;
	v9 =	vpop (erf);
	(erf) = vpow2.f32 v58  }
0x23: {  	v16 =	vld [tilespmem:$0x190];
	v7 =	vmul.f32 $1.442695020e+00, v55;
	v10 =	vpop (erf);
	(erf) = vpow2.f32 v60  }
0x24: {  	v18 =	vld [tilespmem:$0x1A0];
	v17 =	vmul.f32 $1.442695020e+00, v57;
	v11 =	vpop (erf);
	(erf) = vpow2.f32 v62  }
0x25: {  	v20 =	vld [tilespmem:$0x1B0];
	v19 =	vmul.f32 $1.442695020e+00, v59;
	v12 =	vpop (erf);
	(erf) = vpow2.f32 v7  }
0x26: {  	v21 =	vmul.f32 $1.442695020e+00, v61;
	v7 =	vld [tilespmem:$0x1C0];
	v13 =	vpop (erf);
	(erf) = vpow2.f32 v17  }
0x27: {  	v23 =	vld [tilespmem:$0x1D0];
	v22 =	vmul.f32 $1.442695020e+00, v63;
	v8 =	vpop (erf);
	(erf) = vpow2.f32 v19  }
0x28: {  	v14 =	vld [tilespmem:$0x1E0];
	v24 =	vmul.f32 $1.442695020e+00, v16;
	v5 =	vpop (erf);
	(erf) = vpow2.f32 v21  }
0x29: {  	v26 =	vld [tilespmem:$0x1F0];
	v25 =	vmul.f32 $1.442695020e+00, v18;
	v2 =	vpop (erf);
	(erf) = vpow2.f32 v22  }
0x2a: {  	vm0 =	vcmask $0xB08;
	v28 =	vld [tilespmem:$0x200];
	v27 =	vmul.f32 $1.442695020e+00, v20;
	v15 =	vpop (erf);
	(erf) = vpow2.f32 v24  }
0x2b: {  	vm1 =	vcmask $0x300;
	v30 =	vld [tilespmem:$0x210];
	v29 =	vmul.f32 $1.442695020e+00, v7;
	v16 =	vpop (erf);
	(erf) = vpow2.f32 v25  }
0x2c: {  	vm15 =	vcmask $0x1310;
	v32 =	vld [tilespmem:$0x220];
	v31 =	vmul.f32 $1.442695020e+00, v23;
	v17 =	vpop (erf);
	(erf) = vpow2.f32 v27  }
0x2d: {  	vm4 =	vcmask $0x1B18;
	v34 =	vld [tilespmem:$0x230];
	v33 =	vmul.f32 $1.442695020e+00, v14;
	v18 =	vpop (erf);
	(erf) = vpow2.f32 v29  }
0x2e: {  	vm5 =	vcmask $0x2320;
	v35 =	vmul.f32 $1.442695020e+00, v26;
	v20 =	vld [tilespmem:$0x240];
	v19 =	vpop (erf);
	(erf) = vpow2.f32 v31  }
0x2f: {  	vm6 =	vcmask $0x2B28;
	v4 =	vmul.f32 $1.442695020e+00, v28;
	v22 =	vld [tilespmem:$0x250];
	v21 =	vpop (erf);
	(erf) = vpow2.f32 v33  }
0x30: {  	vm7 =	vcmask $0x3330;
	v37 =	vld [tilespmem:$0x260];
	v36 =	vmul.f32 $1.442695020e+00, v30;
	v3 =	vpop (erf);
	(erf) = vpow2.f32 v35  }
0x31: {  	vm8 =	vcmask $0x3B38;
	v39 =	vld [tilespmem:$0x270];
	v38 =	vmul.f32 $1.442695020e+00, v32;
	v0 =	vpop (erf);
	(erf) = vpow2.f32 v4  }
0x32: {  	vm9 =	vcmask $0x1710;
	v41 =	vld [tilespmem:$0x280];
	v40 =	vmul.f32 $1.442695020e+00, v34;
	v23 =	vpop (erf);
	(erf) = vpow2.f32 v36  }
0x33: {  	vm10 =	vcmask $0x700;
	v43 =	vld [tilespmem:$0x290];
	v42 =	vmul.f32 $1.442695020e+00, v20;
	v24 =	vpop (erf);
	(erf) = vpow2.f32 v38  }
0x34: {  	vm11 =	vcmask $0x2720;
	v45 =	vld [tilespmem:$0x2A0];
	v44 =	vmul.f32 $1.442695020e+00, v22;
	v25 =	vpop (erf);
	(erf) = vpow2.f32 v40  }
0x35: {  	vm12 =	vcmask $0x3730;
	v46 =	vmul.f32 $1.442695020e+00, v37;
	v27 =	vld [tilespmem:$0x2B0];
	v26 =	vpop (erf);
	(erf) = vpow2.f32 v42  }
0x36: {  	vm0 =	vmor vm1, vm0;
	v47 =	vmul.f32 $1.442695020e+00, v39;
	v28 =	vld [tilespmem:$0x2C0];
	v7 =	vpop (erf);
	(erf) = vpow2.f32 v44  }
0x37: {  	vm0 =	vmor vm0, vm15;
	v14 =	vmul.f32 $1.442695020e+00, v41;
	v29 =	vld [tilespmem:$0x2D0];
	v6 =	vpop (erf);
	(erf) = vpow2.f32 v46  }
0x38: {  	vm0 =	vmor vm0, vm4;
	v30 =	vld [tilespmem:$0x2E0];
	v20 =	vmul.f32 $1.442695020e+00, v43;
	v4 =	vpop (erf);
	(erf) = vpow2.f32 v47  }
0x39: {  	v49 =	vld [tilespmem:$0x2F0];
	v48 =	vmul.f32 $1.442695020e+00, v45;
	v9 =	vadd.f32 v10, v9;
	v1 =	vpop (erf);
	(erf) = vpow2.f32 v14  }
0x3a: {  	vm0 =	vmor vm0, vm5;
	v51 =	vld [tilespmem:$0x300];
	v50 =	vmul.f32 $1.442695020e+00, v27;
	v31 =	vpop (erf);
	(erf) = vpow2.f32 v20  }
0x3b: {  	v53 =	vld [tilespmem:$0x310];
	v52 =	vmul.f32 $1.442695020e+00, v28;
	v9 =	vadd.f32 v11, v9;
	v32 =	vpop (erf);
	(erf) = vpow2.f32 v48  }
0x3c: {  	vm0 =	vmor vm0, vm6;
	v55 =	vld [tilespmem:$0x320];
	v54 =	vmul.f32 $1.442695020e+00, v29;
	v33 =	vpop (erf);
	(erf) = vpow2.f32 v50  }
0x3d: {  	v57 =	vld [tilespmem:$0x330];
	v56 =	vmul.f32 $1.442695020e+00, v30;
	v9 =	vadd.f32 v12, v9;
	v34 =	vpop (erf);
	(erf) = vpow2.f32 v52  }
0x3e: {  	vm0 =	vmor vm0, vm7;
	v59 =	vld [tilespmem:$0x340];
	v58 =	vmul.f32 $1.442695020e+00, v49;
	v10 =	vpop (erf);
	(erf) = vpow2.f32 v54  }
0x3f: {  	v61 =	vld [tilespmem:$0x350];
	v60 =	vmul.f32 $1.442695020e+00, v51;
	v9 =	vadd.f32 v13, v9;
	v35 =	vpop (erf);
	(erf) = vpow2.f32 v56  }
0x40: {  	v63 =	vld [tilespmem:$0x360];
	v62 =	vmul.f32 $1.442695020e+00, v53;
	v15 =	vadd.f32 v16, v15;
	v11 =	vpop (erf);
	(erf) = vpow2.f32 v58  }
0x41: {  	v39 =	vld [tilespmem:$0x370];
	v8 =	vadd.f32 v8, v9;
	v38 =	vmul.f32 $1.442695020e+00, v55;
	v36 =	vpop (erf);
	(erf) = vpow2.f32 v60  }
0x42: {  	v41 =	vld [tilespmem:$0x380];
	v15 =	vadd.f32 v17, v15;
	v40 =	vmul.f32 $1.442695020e+00, v57;
	v12 =	vpop (erf);
	(erf) = vpow2.f32 v62  }
0x43: {  	v43 =	vld [tilespmem:$0x390];
	v5 =	vadd.f32 v5, v8;
	v42 =	vmul.f32 $1.442695020e+00, v59;
	v16 =	vpop (erf);
	(erf) = vpow2.f32 v38  }
0x44: {  	v45 =	vld [tilespmem:$0x3A0];
	v15 =	vadd.f32 v18, v15;
	v44 =	vmul.f32 $1.442695020e+00, v61;
	v13 =	vpop (erf);
	(erf) = vpow2.f32 v40  }
0x45: {  	v23 =	vadd.f32 v24, v23;
	v46 =	vmul.f32 $1.442695020e+00, v63;
	v47 =	vld [tilespmem:$0x3B0];
	v17 =	vpop (erf);
	(erf) = vpow2.f32 v42  }
0x46: {  	v49 =	vld [tilespmem:$0x3C0];
	v2 =	vadd.f32 v2, v5;
	v48 =	vmul.f32 $1.442695020e+00, v39;
	v9 =	vpop (erf);
	(erf) = vpow2.f32 v44  }
0x47: {  	v51 =	vld [tilespmem:$0x3D0];
	v23 =	vadd.f32 v25, v23;
	v50 =	vmul.f32 $1.442695020e+00, v41;
	v18 =	vpop (erf);
	(erf) = vpow2.f32 v46  }
0x48: {  	v53 =	vld [tilespmem:$0x3E0];
	v15 =	vadd.f32 v19, v15;
	v52 =	vmul.f32 $1.442695020e+00, v43;
	v8 =	vpop (erf);
	(erf) = vpow2.f32 v48  }
0x49: {  	v55 =	vld [tilespmem:$0x3F0];
	v23 =	vadd.f32 v26, v23;
	v54 =	vmul.f32 $1.442695020e+00, v45;
	v19 =	vpop (erf);
	(erf) = vpow2.f32 v50  }
0x4a: {  	v57 =	vld [tilespmem:$0x400];
	v15 =	vadd.f32 v21, v15;
	v56 =	vmul.f32 $1.442695020e+00, v47;
	v5 =	vpop (erf);
	(erf) = vpow2.f32 v52  }
0x4b: {  	v59 =	vld [tilespmem:$0x410];
	v7 =	vadd.f32 v7, v23;
	v58 =	vmul.f32 $1.442695020e+00, v49;
	v21 =	vpop (erf);
	(erf) = vpow2.f32 v54  }
0x4c: {  	v61 =	vadd.f32 v32, v31;
	v60 =	vmul.f32 $1.442695020e+00, v51;
	v24 =	vpop (erf);
	(erf) = vpow2.f32 v56  }
0x4d: {  	v63 =	vld [tilespmem:$0x420];
	v6 =	vadd.f32 v6, v7;
	v62 =	vmul.f32 $1.442695020e+00, v53;
	v31 =	vpop (erf);
	(erf) = vpow2.f32 v58  }
0x4e: {  	v3 =	vadd.f32 v3, v15;
	v37 =	vmul.f32 $1.442695020e+00, v55;
	v25 =	vpop (erf);
	(erf) = vpow2.f32 v60  }
0x4f: {  	v41 =	vld [tilespmem:$0x430];
	v4 =	vadd.f32 v4, v6;
	v40 =	vmul.f32 $1.442695020e+00, v57;
	v39 =	vpop (erf);
	(erf) = vpow2.f32 v62  }
0x50: {  	v43 =	vmul.f32 $1.442695020e+00, v59;
	v59 =	vld [tilespmem:$0x470];
	v38 =	vadd.f32 v33, v61;
	v42 =	vpop (erf);
	(erf) = vpow2.f32 v37  }
0x51: {  	v0 =	vadd.f32 v0, v3;
	v55 =	vld [tilespmem:$0x460];
	v1 =	vadd.f32 v1, v4;
	v45 =	vpop (erf);
	(erf) = vpow2.f32 v40  }
0x52: {  	v44 =	vadd.f32 v34, v38;
	v46 =	vld [tilespmem:$0x440];
	v48 =	vmul.f32 $1.442695020e+00, v63;
	v47 =	vpop (erf);
	(erf) = vpow2.f32 v43  }
0x53: {  	vm0 =	vmor vm0, vm8;
	v12 =	vadd.f32 v16, v12;
	v50 =	vld [tilespmem:$0x450];
	v5 =	vadd.f32 v21, v5;
	v49 =	vpop (erf)  }
0x54: {  	v10 =	vadd.f32 v10, v44;
	v52 =	vmul.f32 $1.442695020e+00, v41;
	(erf) = vpow2.f32 v48;
	v51 =	vpop (erf)  }
0x55: {  	v7 =	vmul.f32 $1.442695020e+00, v59;
	v12 =	vadd.f32 v13, v12;
	v5 =	vadd.f32 v24, v5;
	v53 =	vpop (erf)  }
0x56: {  	v59 =	vimm.s32 $0xFEDCBA98;
	v54 =	vadd.f32 v35, v10;
	(erf) = vpow2.f32 v52;
	v56 =	vpop (erf)  }
0x57: {  	v14 =	vmul.f32 $1.442695020e+00, v46;
	v60 =	vadd.f32 v17, v12;
	v5 =	vadd.f32 v31, v5;
	v57 =	vpop (erf)  }
0x58: {  	v10 =	vmul.f32 $1.442695020e+00, v55;
	v58 =	vadd.f32 v11, v54;
	v62 =	vmul.f32 $1.442695020e+00, v50;
	v61 =	vpop (erf)  }
0x59: {  	v28 =	vadd.f32 v9, v60;
	v5 =	vadd.f32 v25, v5;
	(erf) = vpow2.f32 v14;
	v63 =	vpop (erf)  }
0x5a: {  	v23 =	vadd.f32 v36, v58;
	v36 =	vimm.s32 $0xEFCDAB89;
	v3 =	vadd.f32 v49, v47;
	v29 =	vpop (erf)  }
0x5b: {  	v6 =	vadd.f32 v18, v28;
	v5 =	vadd.f32 v39, v5;
	(erf) = vpow2.f32 v62;
	v32 =	vpop (erf)  }
0x5c: {  	v37 =	vimm.s32 $0x67452301;
	v3 =	vadd.f32 v51, v3;
	v9 =	vadd.f32 v32, v29  }
0x5d: {  	v6 =	vadd.f32 v8, v6;
	v5 =	vadd.f32 v42, v5;
	(erf) = vpow2.f32 v10;
	v33 =	vpop (erf)  }
0x5e: {  	v8 =	vunpack.c.l.s4.s8 v36;
	v3 =	vadd.f32 v53, v3;
	v9 =	vadd.f32 v33, v9  }
0x5f: {  	v5 =	vadd.f32 v45, v5;
	v45 =	vimm.s32 $0x54761032;
	(erf) = vpow2.f32 v7;
	v34 =	vpop (erf)  }
0x60: {  	v3 =	vadd.f32 v56, v3;
	v7 =	vadd.f32 v34, v9;
	v9 =	vunpack.c.l.s4.s8 v37  }
0x61: {  	v44 =	vimm.s32 $0xDCFE98BA;
	v8 =	vunpack.c.0.s8.s32 v8;
	v11 =	vunpack.c.l.s4.s8 v45  }
0x62: {  	v10 =	vunpack.c.l.s4.s8 v44;
	v3 =	vadd.f32 v57, v3;
	v35 =	vpop (erf);
	v9 =	vunpack.c.0.s8.s32 v9  }
0x63: {  	v55 =	vimm.s32 $0xBA98FEDC;
	v11 =	vunpack.c.0.s8.s32 v11;
	v7 =	vadd.f32 v35, v7  }
0x64: {  	v10 =	vunpack.c.0.s8.s32 v10;
	v3 =	vadd.f32 v61, v3;
	v38 =	vpop (erf);
	v8 =	vcombine.low v9, v8  }
0x65: {  	v6 =	vadd.f32 v19, v6;
	v56 =	vimm.s32 $0x32107654;
	v7 =	vadd.f32 v38, v7  }
0x66: {  	v10 =	vcombine.low v11, v10;
	v3 =	vadd.f32 v63, v3;
	v39 =	vpop (erf);
	v8 =	vand.u32 $0xF, v8  }
0x67: {  	v7 =	vadd.f32 v39, v7;
	v41 =	vperm.xlane v0, v8;
	v42 =	vperm.xlane v2, v8  }
0x68: {  	v52 =	vand.u32 $0xF, v10;
	v40 =	vpop (erf);
	v43 =	vperm.xlane v23, v8;
	v46 =	vperm.xlane v1, v8  }
0x69: {  	v47 =	vperm.xlane v5, v8;
	v7 =	vadd.f32 v40, v7;
	v0 =	vadd.f32 v41, v0  }
0x6a: {  	v48 =	vperm.xlane v6, v8;
	v2 =	vadd.f32 v42, v2;
	v4 =	vadd.f32 v43, v23  }
0x6b: {  	v1 =	vadd.f32 v46, v1;
	v49 =	vperm.xlane v7, v8;
	v8 =	vperm.xlane v3, v8  }
0x6c: {  	v50 =	vadd.f32 v47, v5;
	v51 =	vadd.f32 v48, v6;
	v0 =	vsel vm0, v2, v0  }
0x6d: {  	v1 =	vsel vm0, v1, v4;
	v2 =	vadd.f32 v49, v7;
	v3 =	vadd.f32 v8, v3  }
0x6e: {  	v5 =	vunpack.c.l.s4.s8 v56;
	v4 =	vsel vm0, v51, v50;
	v53 =	vperm.xlane v1, v52  }
0x6f: {  	v54 =	vperm.xlane v0, v52;
	v2 =	vsel vm0, v3, v2;
	v3 =	vunpack.c.l.s4.s8 v55  }
0x70: {  	v5 =	vunpack.c.0.s8.s32 v5;
	v6 =	vperm.xlane v4, v52;
	v57 =	vperm.xlane v2, v52  }
0x71: {  	v1 =	vadd.f32 v53, v1;
	vm0 =	vmor vm10, vm9;
	v3 =	vunpack.c.0.s8.s32 v3  }
0x72: {  	v4 =	vadd.f32 v6, v4;
	vm0 =	vmor vm0, vm11;
	v2 =	vadd.f32 v57, v2  }
0x73: {  	v0 =	vadd.f32 v54, v0;
	vm0 =	vmor vm0, vm12;
	v3 =	vcombine.low v5, v3  }
0x74: {  	v60 =	vimm.s32 $0x76543210;
	v58 =	vsel vm0, v4, v2;
	v2 =	vunpack.c.l.s4.s8 v59  }
0x75: {  	v0 =	vsel vm0, v0, v1;
	v4 =	vunpack.c.l.s4.s8 v60;
	v3 =	vand.u32 $0xF, v3  }
0x76: {  	v61 =	vperm.xlane v58, v3;
	v3 =	vperm.xlane v0, v3;
	v2 =	vunpack.c.0.s8.s32 v2  }
0x77: {  	vm13 =	vcmask $0x2F20;
	vm14 =	vcmask $0xF00;
	v62 =	vunpack.c.0.s8.s32 v4  }
0x78: {  	v1 =	vadd.f32 v58, v61;
	v0 =	vadd.f32 v3, v0;
	v2 =	vand.u32 $0xF, v2  }
0x79: {  	vm0 =	vmor vm14, vm13;
	v2 =	vcombine.low v2, v62  }
0x7a: {  	v0 =	vsel vm0, v0, v1  }
0x7b: {  	v1 =	vperm.xlane v0, v2;
	_ =	sdelay $0x1  }
0x7c: {  	v0 =	vadd.f32 v0, v1;
	_ =	sdelay $0x1  }
0x7d: {  	v1 =	vand.u32 $0x7FFFFF, v0  }
0x7e: {  	v1 =	vor.u32 $0x3F800000, v1  }
0x7f: {  	v63 =	vmul.f32 $-1.720806020e-02, v1;
	_ =	sdelay $0x1  }
0x80: {  	v2 =	vadd.f32 $1.849751770e-01, v63;
	_ =	sdelay $0x1  }
0x81: {  	v2 =	vmul.f32 v1, v2;
	_ =	sdelay $0x1  }
0x82: {  	v2 =	vadd.f32 $-8.555376530e-01, v2;
	_ =	sdelay $0x1  }
0x83: {  	v2 =	vmul.f32 v1, v2;
	_ =	sdelay $0x1  }
0x84: {  	v2 =	vadd.f32 $2.231150630e+00, v2;
	_ =	sdelay $0x1  }
0x85: {  	v2 =	vmul.f32 v1, v2;
	_ =	sdelay $0x1  }
0x86: {  	v2 =	vadd.f32 $-3.648834470e+00, v2;
	_ =	sdelay $0x1  }
0x87: {  	v2 =	vmul.f32 v1, v2;
	_ =	sdelay $0x1  }
0x88: {  	v0 =	vshrl.u32 v0, $0x17;
	v2 =	vadd.f32 $4.204533100e+00, v2  }
0x89: {  	v0 =	vadd.s32 $0xFFFFFF81, v0  }
0x8a: {  	v0 =	vcvt.s32.f32 v0;
	v1 =	vmul.f32 v1, v2;
	_ =	sdelay $0x1  }
0x8b: {  	v0 =	vmul.f32 $6.931471820e-01, v0;
	v1 =	vadd.f32 $-2.099074840e+00, v1;
	_ =	sdelay $0x1  }
0x8c: {  	v0 =	vadd.f32 v1, v0  }
0x8d: {  	s29 =	sshll.u32 s1, $0x4;
	vm15 =	vmmov $0xff  }
0x8e: {  	s3 =	sadd.s32 s29, s3;
	v0 =	vnsel vm15, $0x0, v0  }
0x8f: {  	s30 =	simm.s32 $0x480;
	s3 =	sadd.s32 $0xE00, s3;
	[tilespmem:$0x480] =	vst v0  }
0x90: {  	[hbm4b:s3+s2] =	stream.linear.scatter [tilespmem:s30], [sflag:$0x3], $0x80, $0x38;
	[tilespmem:$0x500] =	vst v63  }
0x91: {  	_ =	swait.ge [sflag:s23], $0x80  }
0x92: {  	[sflag:s23] =	ssyncset.done $0x0  }
0x93: {  	s31 =	simm.s32 $0x2;
	[sflag:s23] =	ssyncadd.s32 $0xFFFFFF80  }
0x94: {  	_ =	swait.ge [sflag:s31], $0x400  }
0x95: {  	[sflag:s31] =	ssyncset.done $0x0  }
0x96: {  	[sflag:s31] =	ssyncadd.s32 $0xFFFFFC00  }
0x97: {  	_ =	sfence.sel $0x180000  }
0x98: {  	[bflag:$0x0] =	sbarrier.arrive $0xFFFF  }
0x99: {  	p0 =	sne.s32 s1, $0x0;
	_ =	strace $0x90000047  }
0x9a: {  	s0 =	sadd.s32 @!p0 $0x100000, s0;
	[bflag:$0x2] =	sbarrier.arrive $0xFFFF  }
0x9b: {  	[sflag:s0] =	ssyncadd.tile.s32 @!p0 $0x1;
	_ =	shalt  }
.Lfunc_end2:
_tile_overlayer_lowered:
.L_overlay_start_2:
0x9c: {  	(tag) =	ssettag $0x2  }
0x9d: {  	s0 =	rddreg [dreg:$0x0];
	s2 =	stileid.u32  }
0x9e: {  	s1 =	rddreg [dreg:$0x1];
	p0 =	sne.s32 s2, $0x0  }
0x9f: {  	s3 =	rddreg [dreg:$0x2];
	[bflag:$0x3] =	sbarrier.arrive $0xFFFF;
	s2 =	simm.s32 @!p0 $0x1C03  }
0xa0: {  	[timem:s3], [sflag:s2] =	dma.local @!p0 [hbm:s0], s1  }
0xa1: {  	s0 =	simm.s32 @!p0 $0x3  }
0xa2: {  	_ =	swait.ge @!p0 [sflag:s0], s1  }
0xa3: {  	s1 =	ssub.s32 @!p0 $0x0, s1;
	[sflag:s0] =	ssyncset.done @!p0 $0x0  }
0xa4: {  	[sflag:s0] =	ssyncadd.s32 @!p0 s1  }
0xa5: {  	[bflag:$0x3] =	sbarrier.arrive $0xFFFF  }
0xa6: {  	_ =	shalt  }

</sc_bundles>
